<compile_context>
chip_gen: v7x
topology: tpu7x:2x2x1
jax: 0.10.2.dev20260603
libtpu: 0.0.44.dev20260713+nightly
codegen_flags: <defaults>
</compile_context>

<pallas_src>
import functools

import jax
import jax.numpy as jnp
from jax import lax
from jax.experimental import pallas as pl
from jax.experimental.pallas import tpu as pltpu
from jax.experimental.pallas import tpu_sc as plsc

_N = 10000
_NPAD = 10240
_NW = 32
_CHUNK = 128
_STRIPE = _NPAD // 16


def _make_agg(K: int, D: int):
  mesh = plsc.VectorSubcoreMesh(core_axis_name="c", subcore_axis_name="s")

  @functools.partial(
      pl.kernel,
      out_type=jax.ShapeDtypeStruct((2, _NPAD, D), jnp.float32),
      mesh=mesh,
      scratch_types=[
          pltpu.VMEM((K, _CHUNK), jnp.int32),
          pltpu.VMEM((K, _CHUNK), jnp.int32),
          pltpu.VMEM((_CHUNK, D), jnp.float32),
          pltpu.VMEM_SHARED((_NPAD, D), jnp.float32),
          pltpu.SemaphoreType.DMA,
      ],
      compiler_params=pltpu.CompilerParams(use_tc_tiling_on_sc=False),
  )
  def agg(x_hbm, src_hbm, dst_hbm, out_hbm, src_v, dst_v, rows_v, acc, sem):
    c = lax.axis_index("c")
    s = lax.axis_index("s")
    wid = s * 2 + c

    zeros16 = jnp.zeros((16,), jnp.float32)
    nwords = D // 16

    def zbody(i, carry):
      r = i // nwords
      col = (i % nwords) * 16
      rows_v[r, pl.ds(col, 16)] = zeros16
      return carry

    lax.fori_loop(0, _CHUNK * nwords, zbody, 0)
    base = s * _STRIPE
    for i in range(_STRIPE // _CHUNK):
      pltpu.sync_copy(rows_v, acc.at[pl.ds(base + i * _CHUNK, _CHUNK)])
    plsc.subcore_barrier()

    pltpu.sync_copy(src_hbm.at[wid], src_v)
    pltpu.sync_copy(dst_hbm.at[wid], dst_v)

    def body(j, carry):
      pltpu.async_copy(x_hbm.at[src_v.at[j]], rows_v, sem).wait()
      pltpu.sync_copy(rows_v, acc.at[dst_v.at[j]], add=True)
      return carry

    lax.fori_loop(0, K, body, 0)
    plsc.subcore_barrier()

    pltpu.sync_copy(acc.at[pl.ds(base, _STRIPE)],
                    out_hbm.at[c, pl.ds(base, _STRIPE)])

  return agg


def _mid_body(p0_ref, p1_ref, w1_ref, b1_ref, w2_ref, o_ref):
  agg = p0_ref[0] + p1_ref[0]
  h = jnp.dot(agg, w1_ref[...], preferred_element_type=jnp.float32)
  h = jnp.maximum(h + b1_ref[...], 0.0)
  o_ref[...] = jnp.dot(h, w2_ref[...], preferred_element_type=jnp.float32)


def _fin_body(q0_ref, q1_ref, b2_ref, o_ref):
  z = q0_ref[0] + q1_ref[0] + b2_ref[...]
  m = jnp.max(z, axis=1, keepdims=True)
  e = jnp.exp(z - m)
  ssum = jnp.sum(e, axis=1, keepdims=True)
  o_ref[...] = (z - m) - jnp.log(ssum)


def kernel(x, adj, W1, b1, W2, b2):
  n, d1 = x.shape
  d2 = W2.shape[1]
  e = adj.shape[1]
  k = -(-e // (_NW * _CHUNK))
  epad = _NW * k * _CHUNK

  adj = adj.astype(jnp.int32)
  src = jnp.concatenate([adj[0], jnp.zeros((epad - e,), jnp.int32)])
  dst = jnp.concatenate([adj[1], jnp.full((epad - e,), _N, jnp.int32)])
  src = src.reshape(_NW, k, _CHUNK)
  dst = dst.reshape(_NW, k, _CHUNK)

  p = _make_agg(k, d1)(x, src, dst)

  rb = 1000
  grid = n // rb
  t = pl.pallas_call(
      _mid_body,
      grid=(grid,),
      in_specs=[
          pl.BlockSpec((1, rb, d1), lambda i: (0, i, 0)),
          pl.BlockSpec((1, rb, d1), lambda i: (1, i, 0)),
          pl.BlockSpec((d1, d1), lambda i: (0, 0)),
          pl.BlockSpec((1, d1), lambda i: (0, 0)),
          pl.BlockSpec((d1, d2), lambda i: (0, 0)),
      ],
      out_specs=pl.BlockSpec((rb, d2), lambda i: (i, 0)),
      out_shape=jax.ShapeDtypeStruct((n, d2), jnp.float32),
  )(p, p, W1, b1.reshape(1, d1), W2)

  q = _make_agg(k, d2)(t, src, dst)

  out = pl.pallas_call(
      _fin_body,
      grid=(grid,),
      in_specs=[
          pl.BlockSpec((1, rb, d2), lambda i: (0, i, 0)),
          pl.BlockSpec((1, rb, d2), lambda i: (1, i, 0)),
          pl.BlockSpec((1, d2), lambda i: (0, 0)),
      ],
      out_specs=pl.BlockSpec((rb, d2), lambda i: (i, 0)),
      out_shape=jax.ShapeDtypeStruct((n, d2), jnp.float32),
  )(q, q, b2.reshape(1, d2))
  return out

# --- scband reference (transcript-rebuilt; emitter-appended) ---
"""Pipeline reference for scband-gcn-4587025072810 (READ-ONLY COPY).

The authoritative reference and input builder live on the scoring server;
editing this copy changes nothing except your own understanding.
"""

import jax, jax.numpy as jnp
import numpy as np

N = 10000
E = 320000
D_FEAT = 128
D_HID = 128
N_CLASS = 64

def setup_inputs(seed: int = 0) -> dict:
    key = jax.random.key(seed)
    k1, k2, k3, k4 = jax.random.split(key, 4)
    x = jax.random.normal(k1, (N, D_FEAT), dtype=jnp.float32)
    adj = jax.random.randint(k2, (2, E), 0, N)
    W1 = jax.random.normal(k3, (D_FEAT, D_HID), dtype=jnp.float32) * (1.0 / np.sqrt(D_FEAT))
    b1 = jnp.zeros((D_HID,), dtype=jnp.float32)
    W2 = jax.random.normal(k4, (D_HID, N_CLASS), dtype=jnp.float32) * (1.0 / np.sqrt(D_HID))
    b2 = jnp.zeros((N_CLASS,), dtype=jnp.float32)
    return {"x": x, "adj": adj, "W1": W1, "b1": b1, "W2": W2, "b2": b2}

def reference(x, adj, W1, b1, W2, b2):
    # GraphConvolution layer 1: support = x @ W; out = spmm(adj, support) + b
    src = adj[0]
    dst = adj[1]
    h = x @ W1
    h = jax.ops.segment_sum(h[src], dst, num_segments=N) + b1
    h = jax.nn.relu(h)
    # dropout is identity in eval mode (training=False)
    h2 = h @ W2
    h2 = jax.ops.segment_sum(h2[src], dst, num_segments=N) + b2
    return jax.nn.log_softmax(h2, axis=1)

if __name__ == "__main__":
    import jax
    _d = setup_inputs()
    print(jax.jit(kernel)(*tuple(_d.values())))

</pallas_src>

<mosaic_0001>
#map = affine_map<(d0, d1) -> (0, 0)>
#map1 = affine_map<(d0, d1) -> (0, 0, 0)>
module attributes {stable_mosaic.version = 14 : i64} {
  func.func @agg(%arg0: i32, %arg1: i32, %arg2: memref<10000x64xf32, #tpu.memory_space<hbm>>, %arg3: memref<32x79x128xi32, #tpu.memory_space<hbm>>, %arg4: memref<32x79x128xi32, #tpu.memory_space<hbm>>, %arg5: memref<2x10240x64xf32, #tpu.memory_space<hbm>>, %arg6: memref<79x128xi32, #tpu.memory_space<vmem>>, %arg7: memref<79x128xi32, #tpu.memory_space<vmem>>, %arg8: memref<128x64xf32, #tpu.memory_space<vmem>>, %arg9: memref<10240x64xf32, #tpu.memory_space<vmem_shared>>, %arg10: memref<!tpu.dma_semaphore, #tpu.memory_space<semaphore_mem>>) attributes {dimension_semantics = [#tpu.dimension_semantics<core_parallel>, #tpu.dimension_semantics<subcore_parallel>], iteration_bounds = array<i64: 2, 16>, scalar_prefetch = 0 : i64, scratch_operands = 5 : i64, tpu.core_type = #tpu.core_type<sc_vector_subcore>, window_params = [{transform_indices = #map}, {transform_indices = #map1}, {transform_indices = #map1}, {transform_indices = #map1}]} {
    %mul3A = arith.constant 2 : i32
    %mul3A_0 = arith.muli %arg1, %mul3A : i32
    %add3A = arith.addi %mul3A_0, %arg0 : i32
    %broadcast_in_dim3A = arith.constant 0.000000e+00 : f32
    %broadcast_in_dim3A_1 = vector.broadcast %broadcast_in_dim3A : f32 to vector<16xf32>
    %scan3A = arith.constant 0 : i32
    %scan3A_2 = arith.constant 0 : i32
    %scan3A_3 = arith.constant 512 : i32
    %scan3A_4 = arith.addi %scan3A_2, %scan3A_3 : i32
    %scan3A_5 = arith.constant 1 : i32
    scf.for %scan3A_26 = %scan3A_2 to %scan3A_4 step %scan3A_5  : i32 {
      %jit3A = arith.constant 4 : i32
      %div3A = arith.divsi %scan3A_26, %jit3A : i32
      %sign3A = arith.constant 0 : i32
      %sign3A_27 = arith.cmpi sgt, %scan3A_26, %sign3A : i32
      %sign3A_28 = arith.extui %sign3A_27 : i1 to i32
      %sign3A_29 = arith.constant 0 : i32
      %sign3A_30 = arith.cmpi slt, %scan3A_26, %sign3A_29 : i32
      %sign3A_31 = arith.extui %sign3A_30 : i1 to i32
      %sign3A_32 = arith.subi %sign3A_28, %sign3A_31 : i32
      %sign3A_33 = arith.constant 0 : i32
      %sign3A_34 = arith.cmpi sgt, %jit3A, %sign3A_33 : i32
      %sign3A_35 = arith.extui %sign3A_34 : i1 to i32
      %sign3A_36 = arith.constant 0 : i32
      %sign3A_37 = arith.cmpi slt, %jit3A, %sign3A_36 : i32
      %sign3A_38 = arith.extui %sign3A_37 : i1 to i32
      %sign3A_39 = arith.subi %sign3A_35, %sign3A_38 : i32
      %ne3A = arith.cmpi ne, %sign3A_32, %sign3A_39 : i32
      %rem3A = arith.remsi %scan3A_26, %jit3A : i32
      %ne3A_40 = arith.constant 0 : i32
      %ne3A_41 = arith.cmpi ne, %rem3A, %ne3A_40 : i32
      %and3A = arith.andi %ne3A, %ne3A_41 : i1
      %sub3A = arith.constant 1 : i32
      %sub3A_42 = arith.subi %div3A, %sub3A : i32
      %select_n3A = arith.select %and3A, %sub3A_42, %div3A : i32
      %jit3A_43 = arith.constant 4 : i32
      %eq3A = arith.constant 0 : i32
      %eq3A_44 = arith.cmpi eq, %jit3A_43, %eq3A : i32
      %jit3A_45 = arith.constant 1 : i32
      %select_n3A_46 = arith.select %eq3A_44, %jit3A_45, %jit3A_43 : i32
      %rem3A_47 = arith.remsi %scan3A_26, %select_n3A_46 : i32
      %ne3A_48 = arith.constant 0 : i32
      %ne3A_49 = arith.cmpi ne, %rem3A_47, %ne3A_48 : i32
      %lt3A = arith.constant 0 : i32
      %lt3A_50 = arith.cmpi slt, %rem3A_47, %lt3A : i32
      %lt3A_51 = arith.constant 0 : i32
      %lt3A_52 = arith.cmpi slt, %select_n3A_46, %lt3A_51 : i32
      %ne3A_53 = arith.xori %lt3A_50, %lt3A_52 : i1
      %and3A_54 = arith.andi %ne3A_53, %ne3A_49 : i1
      %add3A_55 = arith.addi %rem3A_47, %select_n3A_46 : i32
      %select_n3A_56 = arith.select %and3A_54, %add3A_55, %rem3A_47 : i32
      %mul3A_57 = arith.constant 16 : i32
      %mul3A_58 = arith.muli %select_n3A_56, %mul3A_57 : i32
      %swap3A = arith.index_cast %select_n3A : i32 to index
      %swap3A_59 = arith.index_cast %mul3A_58 : i32 to index
      %swap3A_60 = tpu.vector_load %arg8[%swap3A, %swap3A_59] {strides = array<i32>} : memref<128x64xf32, #tpu.memory_space<vmem>>, vector<1x16xf32>,
      %swap3A_61 = vector.shape_cast %swap3A_60 : vector<1x16xf32> to vector<16xf32>
      %swap3A_62 = vector.shape_cast %broadcast_in_dim3A_1 : vector<16xf32> to vector<1x16xf32>
      tpu.vector_store %arg8[%swap3A, %swap3A_59], %swap3A_62 {strides = array<i32>} : memref<128x64xf32, #tpu.memory_space<vmem>>, vector<1x16xf32>,
    }
    %scan3A_6 = arith.constant 512 : i32
    %mul3A_7 = arith.constant 640 : i32
    %mul3A_8 = arith.muli %arg1, %mul3A_7 : i32
    %add3A_9 = arith.constant 0 : i32
    %add3A_10 = arith.addi %mul3A_8, %add3A_9 : i32
    "tpu.region"() ({
      %run_scoped3A = tpu.sem_alloc : memref<!tpu.dma_semaphore, #tpu.memory_space<semaphore_mem>>
      %dma_start3A = arith.constant 0 : i32
      %dma_start3A_26 = tpu.memref_slice %arg9[%add3A_10, %dma_start3A] : memref<10240x64xf32, #tpu.memory_space<vmem_shared>> -> memref<128x64xf32, #tpu.memory_space<vmem_shared>>
      %dma_start3A_27 = arith.constant 0 : i32
      %dma_start3A_28 = tpu.memref_slice %arg9[%add3A_10, %dma_start3A_27] : memref<10240x64xf32, #tpu.memory_space<vmem_shared>> -> memref<128x64xf32, #tpu.memory_space<vmem_shared>>
      tpu.enqueue_dma source(%arg8 : memref<128x64xf32, #tpu.memory_space<vmem>>) target(%dma_start3A_28 : memref<128x64xf32, #tpu.memory_space<vmem_shared>>) target_semaphore(%run_scoped3A : memref<!tpu.dma_semaphore, #tpu.memory_space<semaphore_mem>>)
      %dma_wait3A = arith.constant 0 : i32
      %dma_wait3A_29 = tpu.memref_slice %arg9[%add3A_10, %dma_wait3A] : memref<10240x64xf32, #tpu.memory_space<vmem_shared>> -> memref<128x64xf32, #tpu.memory_space<vmem_shared>>
      %dma_wait3A_30 = arith.constant 0 : i32
      %dma_wait3A_31 = tpu.memref_slice %arg9[%add3A_10, %dma_wait3A_30] : memref<10240x64xf32, #tpu.memory_space<vmem_shared>> -> memref<128x64xf32, #tpu.memory_space<vmem_shared>>
      tpu.wait_dma2 semaphore(%run_scoped3A : memref<!tpu.dma_semaphore, #tpu.memory_space<semaphore_mem>>) src(%arg8 : memref<128x64xf32, #tpu.memory_space<vmem>>) dst(%dma_wait3A_31 : memref<128x64xf32, #tpu.memory_space<vmem_shared>>)
      tpu.yield
    }) : () -> ()
    %add3A_11 = arith.constant 128 : i32
    %add3A_12 = arith.addi %mul3A_8, %add3A_11 : i32
    "tpu.region"() ({
      %run_scoped3A = tpu.sem_alloc : memref<!tpu.dma_semaphore, #tpu.memory_space<semaphore_mem>>
      %dma_start3A = arith.constant 0 : i32
      %dma_start3A_26 = tpu.memref_slice %arg9[%add3A_12, %dma_start3A] : memref<10240x64xf32, #tpu.memory_space<vmem_shared>> -> memref<128x64xf32, #tpu.memory_space<vmem_shared>>
      %dma_start3A_27 = arith.constant 0 : i32
      %dma_start3A_28 = tpu.memref_slice %arg9[%add3A_12, %dma_start3A_27] : memref<10240x64xf32, #tpu.memory_space<vmem_shared>> -> memref<128x64xf32, #tpu.memory_space<vmem_shared>>
      tpu.enqueue_dma source(%arg8 : memref<128x64xf32, #tpu.memory_space<vmem>>) target(%dma_start3A_28 : memref<128x64xf32, #tpu.memory_space<vmem_shared>>) target_semaphore(%run_scoped3A : memref<!tpu.dma_semaphore, #tpu.memory_space<semaphore_mem>>)
      %dma_wait3A = arith.constant 0 : i32
      %dma_wait3A_29 = tpu.memref_slice %arg9[%add3A_12, %dma_wait3A] : memref<10240x64xf32, #tpu.memory_space<vmem_shared>> -> memref<128x64xf32, #tpu.memory_space<vmem_shared>>
      %dma_wait3A_30 = arith.constant 0 : i32
      %dma_wait3A_31 = tpu.memref_slice %arg9[%add3A_12, %dma_wait3A_30] : memref<10240x64xf32, #tpu.memory_space<vmem_shared>> -> memref<128x64xf32, #tpu.memory_space<vmem_shared>>
      tpu.wait_dma2 semaphore(%run_scoped3A : memref<!tpu.dma_semaphore, #tpu.memory_space<semaphore_mem>>) src(%arg8 : memref<128x64xf32, #tpu.memory_space<vmem>>) dst(%dma_wait3A_31 : memref<128x64xf32, #tpu.memory_space<vmem_shared>>)
      tpu.yield
    }) : () -> ()
    %add3A_13 = arith.constant 256 : i32
    %add3A_14 = arith.addi %mul3A_8, %add3A_13 : i32
    "tpu.region"() ({
      %run_scoped3A = tpu.sem_alloc : memref<!tpu.dma_semaphore, #tpu.memory_space<semaphore_mem>>
      %dma_start3A = arith.constant 0 : i32
      %dma_start3A_26 = tpu.memref_slice %arg9[%add3A_14, %dma_start3A] : memref<10240x64xf32, #tpu.memory_space<vmem_shared>> -> memref<128x64xf32, #tpu.memory_space<vmem_shared>>
      %dma_start3A_27 = arith.constant 0 : i32
      %dma_start3A_28 = tpu.memref_slice %arg9[%add3A_14, %dma_start3A_27] : memref<10240x64xf32, #tpu.memory_space<vmem_shared>> -> memref<128x64xf32, #tpu.memory_space<vmem_shared>>
      tpu.enqueue_dma source(%arg8 : memref<128x64xf32, #tpu.memory_space<vmem>>) target(%dma_start3A_28 : memref<128x64xf32, #tpu.memory_space<vmem_shared>>) target_semaphore(%run_scoped3A : memref<!tpu.dma_semaphore, #tpu.memory_space<semaphore_mem>>)
      %dma_wait3A = arith.constant 0 : i32
      %dma_wait3A_29 = tpu.memref_slice %arg9[%add3A_14, %dma_wait3A] : memref<10240x64xf32, #tpu.memory_space<vmem_shared>> -> memref<128x64xf32, #tpu.memory_space<vmem_shared>>
      %dma_wait3A_30 = arith.constant 0 : i32
      %dma_wait3A_31 = tpu.memref_slice %arg9[%add3A_14, %dma_wait3A_30] : memref<10240x64xf32, #tpu.memory_space<vmem_shared>> -> memref<128x64xf32, #tpu.memory_space<vmem_shared>>
      tpu.wait_dma2 semaphore(%run_scoped3A : memref<!tpu.dma_semaphore, #tpu.memory_space<semaphore_mem>>) src(%arg8 : memref<128x64xf32, #tpu.memory_space<vmem>>) dst(%dma_wait3A_31 : memref<128x64xf32, #tpu.memory_space<vmem_shared>>)
      tpu.yield
    }) : () -> ()
    %add3A_15 = arith.constant 384 : i32
    %add3A_16 = arith.addi %mul3A_8, %add3A_15 : i32
    "tpu.region"() ({
      %run_scoped3A = tpu.sem_alloc : memref<!tpu.dma_semaphore, #tpu.memory_space<semaphore_mem>>
      %dma_start3A = arith.constant 0 : i32
      %dma_start3A_26 = tpu.memref_slice %arg9[%add3A_16, %dma_start3A] : memref<10240x64xf32, #tpu.memory_space<vmem_shared>> -> memref<128x64xf32, #tpu.memory_space<vmem_shared>>
      %dma_start3A_27 = arith.constant 0 : i32
      %dma_start3A_28 = tpu.memref_slice %arg9[%add3A_16, %dma_start3A_27] : memref<10240x64xf32, #tpu.memory_space<vmem_shared>> -> memref<128x64xf32, #tpu.memory_space<vmem_shared>>
      tpu.enqueue_dma source(%arg8 : memref<128x64xf32, #tpu.memory_space<vmem>>) target(%dma_start3A_28 : memref<128x64xf32, #tpu.memory_space<vmem_shared>>) target_semaphore(%run_scoped3A : memref<!tpu.dma_semaphore, #tpu.memory_space<semaphore_mem>>)
      %dma_wait3A = arith.constant 0 : i32
      %dma_wait3A_29 = tpu.memref_slice %arg9[%add3A_16, %dma_wait3A] : memref<10240x64xf32, #tpu.memory_space<vmem_shared>> -> memref<128x64xf32, #tpu.memory_space<vmem_shared>>
      %dma_wait3A_30 = arith.constant 0 : i32
      %dma_wait3A_31 = tpu.memref_slice %arg9[%add3A_16, %dma_wait3A_30] : memref<10240x64xf32, #tpu.memory_space<vmem_shared>> -> memref<128x64xf32, #tpu.memory_space<vmem_shared>>
      tpu.wait_dma2 semaphore(%run_scoped3A : memref<!tpu.dma_semaphore, #tpu.memory_space<semaphore_mem>>) src(%arg8 : memref<128x64xf32, #tpu.memory_space<vmem>>) dst(%dma_wait3A_31 : memref<128x64xf32, #tpu.memory_space<vmem_shared>>)
      tpu.yield
    }) : () -> ()
    %add3A_17 = arith.constant 512 : i32
    %add3A_18 = arith.addi %mul3A_8, %add3A_17 : i32
    "tpu.region"() ({
      %run_scoped3A = tpu.sem_alloc : memref<!tpu.dma_semaphore, #tpu.memory_space<semaphore_mem>>
      %dma_start3A = arith.constant 0 : i32
      %dma_start3A_26 = tpu.memref_slice %arg9[%add3A_18, %dma_start3A] : memref<10240x64xf32, #tpu.memory_space<vmem_shared>> -> memref<128x64xf32, #tpu.memory_space<vmem_shared>>
      %dma_start3A_27 = arith.constant 0 : i32
      %dma_start3A_28 = tpu.memref_slice %arg9[%add3A_18, %dma_start3A_27] : memref<10240x64xf32, #tpu.memory_space<vmem_shared>> -> memref<128x64xf32, #tpu.memory_space<vmem_shared>>
      tpu.enqueue_dma source(%arg8 : memref<128x64xf32, #tpu.memory_space<vmem>>) target(%dma_start3A_28 : memref<128x64xf32, #tpu.memory_space<vmem_shared>>) target_semaphore(%run_scoped3A : memref<!tpu.dma_semaphore, #tpu.memory_space<semaphore_mem>>)
      %dma_wait3A = arith.constant 0 : i32
      %dma_wait3A_29 = tpu.memref_slice %arg9[%add3A_18, %dma_wait3A] : memref<10240x64xf32, #tpu.memory_space<vmem_shared>> -> memref<128x64xf32, #tpu.memory_space<vmem_shared>>
      %dma_wait3A_30 = arith.constant 0 : i32
      %dma_wait3A_31 = tpu.memref_slice %arg9[%add3A_18, %dma_wait3A_30] : memref<10240x64xf32, #tpu.memory_space<vmem_shared>> -> memref<128x64xf32, #tpu.memory_space<vmem_shared>>
      tpu.wait_dma2 semaphore(%run_scoped3A : memref<!tpu.dma_semaphore, #tpu.memory_space<semaphore_mem>>) src(%arg8 : memref<128x64xf32, #tpu.memory_space<vmem>>) dst(%dma_wait3A_31 : memref<128x64xf32, #tpu.memory_space<vmem_shared>>)
      tpu.yield
    }) : () -> ()
    %barrier3A = arith.constant 0 : index
    tpu.barrier barrier_id(%barrier3A)
    "tpu.region"() ({
      %run_scoped3A = tpu.sem_alloc : memref<!tpu.dma_semaphore, #tpu.memory_space<semaphore_mem>>
      %dma_start3A = arith.constant 0 : i32
      %dma_start3A_26 = arith.constant 0 : i32
      %dma_start3A_27 = tpu.memref_slice %arg3[%add3A, %dma_start3A, %dma_start3A_26] : memref<32x79x128xi32, #tpu.memory_space<hbm>> -> memref<1x79x128xi32, #tpu.memory_space<hbm>>
      %dma_start3A_28 = tpu.memref_squeeze %dma_start3A_27 : memref<1x79x128xi32, #tpu.memory_space<hbm>> -> memref<79x128xi32, #tpu.memory_space<hbm>>
      %dma_start3A_29 = arith.constant 0 : i32
      %dma_start3A_30 = arith.constant 0 : i32
      %dma_start3A_31 = tpu.memref_slice %arg3[%add3A, %dma_start3A_29, %dma_start3A_30] : memref<32x79x128xi32, #tpu.memory_space<hbm>> -> memref<1x79x128xi32, #tpu.memory_space<hbm>>
      %dma_start3A_32 = tpu.memref_squeeze %dma_start3A_31 : memref<1x79x128xi32, #tpu.memory_space<hbm>> -> memref<79x128xi32, #tpu.memory_space<hbm>>
      tpu.enqueue_dma source(%dma_start3A_32 : memref<79x128xi32, #tpu.memory_space<hbm>>) target(%arg6 : memref<79x128xi32, #tpu.memory_space<vmem>>) target_semaphore(%run_scoped3A : memref<!tpu.dma_semaphore, #tpu.memory_space<semaphore_mem>>)
      %dma_wait3A = arith.constant 0 : i32
      %dma_wait3A_33 = arith.constant 0 : i32
      %dma_wait3A_34 = tpu.memref_slice %arg3[%add3A, %dma_wait3A, %dma_wait3A_33] : memref<32x79x128xi32, #tpu.memory_space<hbm>> -> memref<1x79x128xi32, #tpu.memory_space<hbm>>
      %dma_wait3A_35 = tpu.memref_squeeze %dma_wait3A_34 : memref<1x79x128xi32, #tpu.memory_space<hbm>> -> memref<79x128xi32, #tpu.memory_space<hbm>>
      %dma_wait3A_36 = arith.constant 0 : i32
      %dma_wait3A_37 = arith.constant 0 : i32
      %dma_wait3A_38 = tpu.memref_slice %arg3[%add3A, %dma_wait3A_36, %dma_wait3A_37] : memref<32x79x128xi32, #tpu.memory_space<hbm>> -> memref<1x79x128xi32, #tpu.memory_space<hbm>>
      %dma_wait3A_39 = tpu.memref_squeeze %dma_wait3A_38 : memref<1x79x128xi32, #tpu.memory_space<hbm>> -> memref<79x128xi32, #tpu.memory_space<hbm>>
      tpu.wait_dma2 semaphore(%run_scoped3A : memref<!tpu.dma_semaphore, #tpu.memory_space<semaphore_mem>>) src(%dma_wait3A_39 : memref<79x128xi32, #tpu.memory_space<hbm>>) dst(%arg6 : memref<79x128xi32, #tpu.memory_space<vmem>>)
      tpu.yield
    }) : () -> ()
    "tpu.region"() ({
      %run_scoped3A = tpu.sem_alloc : memref<!tpu.dma_semaphore, #tpu.memory_space<semaphore_mem>>
      %dma_start3A = arith.constant 0 : i32
      %dma_start3A_26 = arith.constant 0 : i32
      %dma_start3A_27 = tpu.memref_slice %arg4[%add3A, %dma_start3A, %dma_start3A_26] : memref<32x79x128xi32, #tpu.memory_space<hbm>> -> memref<1x79x128xi32, #tpu.memory_space<hbm>>
      %dma_start3A_28 = tpu.memref_squeeze %dma_start3A_27 : memref<1x79x128xi32, #tpu.memory_space<hbm>> -> memref<79x128xi32, #tpu.memory_space<hbm>>
      %dma_start3A_29 = arith.constant 0 : i32
      %dma_start3A_30 = arith.constant 0 : i32
      %dma_start3A_31 = tpu.memref_slice %arg4[%add3A, %dma_start3A_29, %dma_start3A_30] : memref<32x79x128xi32, #tpu.memory_space<hbm>> -> memref<1x79x128xi32, #tpu.memory_space<hbm>>
      %dma_start3A_32 = tpu.memref_squeeze %dma_start3A_31 : memref<1x79x128xi32, #tpu.memory_space<hbm>> -> memref<79x128xi32, #tpu.memory_space<hbm>>
      tpu.enqueue_dma source(%dma_start3A_32 : memref<79x128xi32, #tpu.memory_space<hbm>>) target(%arg7 : memref<79x128xi32, #tpu.memory_space<vmem>>) target_semaphore(%run_scoped3A : memref<!tpu.dma_semaphore, #tpu.memory_space<semaphore_mem>>)
      %dma_wait3A = arith.constant 0 : i32
      %dma_wait3A_33 = arith.constant 0 : i32
      %dma_wait3A_34 = tpu.memref_slice %arg4[%add3A, %dma_wait3A, %dma_wait3A_33] : memref<32x79x128xi32, #tpu.memory_space<hbm>> -> memref<1x79x128xi32, #tpu.memory_space<hbm>>
      %dma_wait3A_35 = tpu.memref_squeeze %dma_wait3A_34 : memref<1x79x128xi32, #tpu.memory_space<hbm>> -> memref<79x128xi32, #tpu.memory_space<hbm>>
      %dma_wait3A_36 = arith.constant 0 : i32
      %dma_wait3A_37 = arith.constant 0 : i32
      %dma_wait3A_38 = tpu.memref_slice %arg4[%add3A, %dma_wait3A_36, %dma_wait3A_37] : memref<32x79x128xi32, #tpu.memory_space<hbm>> -> memref<1x79x128xi32, #tpu.memory_space<hbm>>
      %dma_wait3A_39 = tpu.memref_squeeze %dma_wait3A_38 : memref<1x79x128xi32, #tpu.memory_space<hbm>> -> memref<79x128xi32, #tpu.memory_space<hbm>>
      tpu.wait_dma2 semaphore(%run_scoped3A : memref<!tpu.dma_semaphore, #tpu.memory_space<semaphore_mem>>) src(%dma_wait3A_39 : memref<79x128xi32, #tpu.memory_space<hbm>>) dst(%arg7 : memref<79x128xi32, #tpu.memory_space<vmem>>)
      tpu.yield
    }) : () -> ()
    %scan3A_19 = arith.constant 0 : i32
    %scan3A_20 = arith.constant 0 : i32
    %scan3A_21 = arith.constant 79 : i32
    %scan3A_22 = arith.addi %scan3A_20, %scan3A_21 : i32
    %scan3A_23 = arith.constant 1 : i32
    scf.for %scan3A_26 = %scan3A_20 to %scan3A_22 step %scan3A_23  : i32 {
      %dma_start3A = arith.constant 0 : i32
      %dma_start3A_27 = tpu.memref_slice %arg6[%scan3A_26, %dma_start3A] : memref<79x128xi32, #tpu.memory_space<vmem>> -> memref<1x128xi32, #tpu.memory_space<vmem>>
      %dma_start3A_28 = tpu.memref_squeeze %dma_start3A_27 : memref<1x128xi32, #tpu.memory_space<vmem>> -> memref<128xi32, #tpu.memory_space<vmem>>
      %dma_start3A_29 = arith.constant 0 : i32
      %dma_start3A_30 = arith.constant 0 : i32
      %dma_start3A_31 = tpu.memref_slice %arg2[%dma_start3A_29, %dma_start3A_30] : memref<10000x64xf32, #tpu.memory_space<hbm>> -> memref<10000x64xf32, #tpu.memory_space<hbm>>
      tpu.enqueue_indirect_dma source(%dma_start3A_31 : memref<10000x64xf32, #tpu.memory_space<hbm>>) target(%arg8 : memref<128x64xf32, #tpu.memory_space<vmem>>) offsets(%dma_start3A_28 : memref<128xi32, #tpu.memory_space<vmem>>) semaphore(%arg10 : memref<!tpu.dma_semaphore, #tpu.memory_space<semaphore_mem>>)
      %dma_wait3A = arith.constant 0 : i32
      %dma_wait3A_32 = tpu.memref_slice %arg6[%scan3A_26, %dma_wait3A] : memref<79x128xi32, #tpu.memory_space<vmem>> -> memref<1x128xi32, #tpu.memory_space<vmem>>
      %dma_wait3A_33 = tpu.memref_squeeze %dma_wait3A_32 : memref<1x128xi32, #tpu.memory_space<vmem>> -> memref<128xi32, #tpu.memory_space<vmem>>
      %dma_wait3A_34 = arith.constant 0 : i32
      %dma_wait3A_35 = arith.constant 0 : i32
      %dma_wait3A_36 = tpu.memref_slice %arg2[%dma_wait3A_34, %dma_wait3A_35] : memref<10000x64xf32, #tpu.memory_space<hbm>> -> memref<10000x64xf32, #tpu.memory_space<hbm>>
      tpu.wait_indirect_dma semaphore(%arg10 : memref<!tpu.dma_semaphore, #tpu.memory_space<semaphore_mem>>) src(%dma_wait3A_36 : memref<10000x64xf32, #tpu.memory_space<hbm>>) dst(%arg8 : memref<128x64xf32, #tpu.memory_space<vmem>>)
      "tpu.region"() ({
        %run_scoped3A = tpu.sem_alloc : memref<!tpu.dma_semaphore, #tpu.memory_space<semaphore_mem>>
        %dma_start3A_37 = arith.constant 0 : i32
        %dma_start3A_38 = tpu.memref_slice %arg7[%scan3A_26, %dma_start3A_37] : memref<79x128xi32, #tpu.memory_space<vmem>> -> memref<1x128xi32, #tpu.memory_space<vmem>>
        %dma_start3A_39 = tpu.memref_squeeze %dma_start3A_38 : memref<1x128xi32, #tpu.memory_space<vmem>> -> memref<128xi32, #tpu.memory_space<vmem>>
        %dma_start3A_40 = arith.constant 0 : i32
        %dma_start3A_41 = arith.constant 0 : i32
        %dma_start3A_42 = tpu.memref_slice %arg9[%dma_start3A_40, %dma_start3A_41] : memref<10240x64xf32, #tpu.memory_space<vmem_shared>> -> memref<10240x64xf32, #tpu.memory_space<vmem_shared>>
        tpu.enqueue_indirect_dma source(%arg8 : memref<128x64xf32, #tpu.memory_space<vmem>>) target(%dma_start3A_42 : memref<10240x64xf32, #tpu.memory_space<vmem_shared>>) offsets(%dma_start3A_39 : memref<128xi32, #tpu.memory_space<vmem>>) semaphore(%run_scoped3A : memref<!tpu.dma_semaphore, #tpu.memory_space<semaphore_mem>>) {add = true}
        %dma_wait3A_43 = arith.constant 0 : i32
        %dma_wait3A_44 = tpu.memref_slice %arg7[%scan3A_26, %dma_wait3A_43] : memref<79x128xi32, #tpu.memory_space<vmem>> -> memref<1x128xi32, #tpu.memory_space<vmem>>
        %dma_wait3A_45 = tpu.memref_squeeze %dma_wait3A_44 : memref<1x128xi32, #tpu.memory_space<vmem>> -> memref<128xi32, #tpu.memory_space<vmem>>
        %dma_wait3A_46 = arith.constant 0 : i32
        %dma_wait3A_47 = arith.constant 0 : i32
        %dma_wait3A_48 = tpu.memref_slice %arg9[%dma_wait3A_46, %dma_wait3A_47] : memref<10240x64xf32, #tpu.memory_space<vmem_shared>> -> memref<10240x64xf32, #tpu.memory_space<vmem_shared>>
        tpu.wait_indirect_dma semaphore(%run_scoped3A : memref<!tpu.dma_semaphore, #tpu.memory_space<semaphore_mem>>) src(%arg8 : memref<128x64xf32, #tpu.memory_space<vmem>>) dst(%dma_wait3A_48 : memref<10240x64xf32, #tpu.memory_space<vmem_shared>>)
        tpu.yield
      }) : () -> ()
    }
    %scan3A_24 = arith.constant 79 : i32
    %barrier3A_25 = arith.constant 0 : index
    tpu.barrier barrier_id(%barrier3A_25)
    "tpu.region"() ({
      %run_scoped3A = tpu.sem_alloc : memref<!tpu.dma_semaphore, #tpu.memory_space<semaphore_mem>>
      %dma_start3A = arith.constant 0 : i32
      %dma_start3A_26 = tpu.memref_slice %arg5[%arg0, %mul3A_8, %dma_start3A] : memref<2x10240x64xf32, #tpu.memory_space<hbm>> -> memref<1x640x64xf32, #tpu.memory_space<hbm>>
      %dma_start3A_27 = tpu.memref_squeeze %dma_start3A_26 : memref<1x640x64xf32, #tpu.memory_space<hbm>> -> memref<640x64xf32, #tpu.memory_space<hbm>>
      %dma_start3A_28 = arith.constant 0 : i32
      %dma_start3A_29 = tpu.memref_slice %arg9[%mul3A_8, %dma_start3A_28] : memref<10240x64xf32, #tpu.memory_space<vmem_shared>> -> memref<640x64xf32, #tpu.memory_space<vmem_shared>>
      tpu.enqueue_dma source(%dma_start3A_29 : memref<640x64xf32, #tpu.memory_space<vmem_shared>>) target(%dma_start3A_27 : memref<640x64xf32, #tpu.memory_space<hbm>>) target_semaphore(%run_scoped3A : memref<!tpu.dma_semaphore, #tpu.memory_space<semaphore_mem>>)
      %dma_wait3A = arith.constant 0 : i32
      %dma_wait3A_30 = tpu.memref_slice %arg5[%arg0, %mul3A_8, %dma_wait3A] : memref<2x10240x64xf32, #tpu.memory_space<hbm>> -> memref<1x640x64xf32, #tpu.memory_space<hbm>>
      %dma_wait3A_31 = tpu.memref_squeeze %dma_wait3A_30 : memref<1x640x64xf32, #tpu.memory_space<hbm>> -> memref<640x64xf32, #tpu.memory_space<hbm>>
      %dma_wait3A_32 = arith.constant 0 : i32
      %dma_wait3A_33 = tpu.memref_slice %arg9[%mul3A_8, %dma_wait3A_32] : memref<10240x64xf32, #tpu.memory_space<vmem_shared>> -> memref<640x64xf32, #tpu.memory_space<vmem_shared>>
      tpu.wait_dma2 semaphore(%run_scoped3A : memref<!tpu.dma_semaphore, #tpu.memory_space<semaphore_mem>>) src(%dma_wait3A_33 : memref<640x64xf32, #tpu.memory_space<vmem_shared>>) dst(%dma_wait3A_31 : memref<640x64xf32, #tpu.memory_space<hbm>>)
      tpu.yield
    }) : () -> ()
    return
  }
}

#map = affine_map<(d0, d1) -> (0, 0)>
#map1 = affine_map<(d0, d1) -> (0, 0, 0)>
module attributes {stable_mosaic.version = 14 : i64} {
  func.func @agg(%arg0: i32, %arg1: i32, %arg2: memref<10000x128xf32, #tpu.memory_space<hbm>>, %arg3: memref<32x79x128xi32, #tpu.memory_space<hbm>>, %arg4: memref<32x79x128xi32, #tpu.memory_space<hbm>>, %arg5: memref<2x10240x128xf32, #tpu.memory_space<hbm>>, %arg6: memref<79x128xi32, #tpu.memory_space<vmem>>, %arg7: memref<79x128xi32, #tpu.memory_space<vmem>>, %arg8: memref<128x128xf32, #tpu.memory_space<vmem>>, %arg9: memref<10240x128xf32, #tpu.memory_space<vmem_shared>>, %arg10: memref<!tpu.dma_semaphore, #tpu.memory_space<semaphore_mem>>) attributes {dimension_semantics = [#tpu.dimension_semantics<core_parallel>, #tpu.dimension_semantics<subcore_parallel>], iteration_bounds = array<i64: 2, 16>, scalar_prefetch = 0 : i64, scratch_operands = 5 : i64, tpu.core_type = #tpu.core_type<sc_vector_subcore>, window_params = [{transform_indices = #map}, {transform_indices = #map1}, {transform_indices = #map1}, {transform_indices = #map1}]} {
    %mul3A = arith.constant 2 : i32
    %mul3A_0 = arith.muli %arg1, %mul3A : i32
    %add3A = arith.addi %mul3A_0, %arg0 : i32
    %broadcast_in_dim3A = arith.constant 0.000000e+00 : f32
    %broadcast_in_dim3A_1 = vector.broadcast %broadcast_in_dim3A : f32 to vector<16xf32>
    %scan3A = arith.constant 0 : i32
    %scan3A_2 = arith.constant 0 : i32
    %scan3A_3 = arith.constant 1024 : i32
    %scan3A_4 = arith.addi %scan3A_2, %scan3A_3 : i32
    %scan3A_5 = arith.constant 1 : i32
    scf.for %scan3A_26 = %scan3A_2 to %scan3A_4 step %scan3A_5  : i32 {
      %jit3A = arith.constant 8 : i32
      %div3A = arith.divsi %scan3A_26, %jit3A : i32
      %sign3A = arith.constant 0 : i32
      %sign3A_27 = arith.cmpi sgt, %scan3A_26, %sign3A : i32
      %sign3A_28 = arith.extui %sign3A_27 : i1 to i32
      %sign3A_29 = arith.constant 0 : i32
      %sign3A_30 = arith.cmpi slt, %scan3A_26, %sign3A_29 : i32
      %sign3A_31 = arith.extui %sign3A_30 : i1 to i32
      %sign3A_32 = arith.subi %sign3A_28, %sign3A_31 : i32
      %sign3A_33 = arith.constant 0 : i32
      %sign3A_34 = arith.cmpi sgt, %jit3A, %sign3A_33 : i32
      %sign3A_35 = arith.extui %sign3A_34 : i1 to i32
      %sign3A_36 = arith.constant 0 : i32
      %sign3A_37 = arith.cmpi slt, %jit3A, %sign3A_36 : i32
      %sign3A_38 = arith.extui %sign3A_37 : i1 to i32
      %sign3A_39 = arith.subi %sign3A_35, %sign3A_38 : i32
      %ne3A = arith.cmpi ne, %sign3A_32, %sign3A_39 : i32
      %rem3A = arith.remsi %scan3A_26, %jit3A : i32
      %ne3A_40 = arith.constant 0 : i32
      %ne3A_41 = arith.cmpi ne, %rem3A, %ne3A_40 : i32
      %and3A = arith.andi %ne3A, %ne3A_41 : i1
      %sub3A = arith.constant 1 : i32
      %sub3A_42 = arith.subi %div3A, %sub3A : i32
      %select_n3A = arith.select %and3A, %sub3A_42, %div3A : i32
      %jit3A_43 = arith.constant 8 : i32
      %eq3A = arith.constant 0 : i32
      %eq3A_44 = arith.cmpi eq, %jit3A_43, %eq3A : i32
      %jit3A_45 = arith.constant 1 : i32
      %select_n3A_46 = arith.select %eq3A_44, %jit3A_45, %jit3A_43 : i32
      %rem3A_47 = arith.remsi %scan3A_26, %select_n3A_46 : i32
      %ne3A_48 = arith.constant 0 : i32
      %ne3A_49 = arith.cmpi ne, %rem3A_47, %ne3A_48 : i32
      %lt3A = arith.constant 0 : i32
      %lt3A_50 = arith.cmpi slt, %rem3A_47, %lt3A : i32
      %lt3A_51 = arith.constant 0 : i32
      %lt3A_52 = arith.cmpi slt, %select_n3A_46, %lt3A_51 : i32
      %ne3A_53 = arith.xori %lt3A_50, %lt3A_52 : i1
      %and3A_54 = arith.andi %ne3A_53, %ne3A_49 : i1
      %add3A_55 = arith.addi %rem3A_47, %select_n3A_46 : i32
      %select_n3A_56 = arith.select %and3A_54, %add3A_55, %rem3A_47 : i32
      %mul3A_57 = arith.constant 16 : i32
      %mul3A_58 = arith.muli %select_n3A_56, %mul3A_57 : i32
      %swap3A = arith.index_cast %select_n3A : i32 to index
      %swap3A_59 = arith.index_cast %mul3A_58 : i32 to index
      %swap3A_60 = tpu.vector_load %arg8[%swap3A, %swap3A_59] {strides = array<i32>} : memref<128x128xf32, #tpu.memory_space<vmem>>, vector<1x16xf32>,
      %swap3A_61 = vector.shape_cast %swap3A_60 : vector<1x16xf32> to vector<16xf32>
      %swap3A_62 = vector.shape_cast %broadcast_in_dim3A_1 : vector<16xf32> to vector<1x16xf32>
      tpu.vector_store %arg8[%swap3A, %swap3A_59], %swap3A_62 {strides = array<i32>} : memref<128x128xf32, #tpu.memory_space<vmem>>, vector<1x16xf32>,
    }
    %scan3A_6 = arith.constant 1024 : i32
    %mul3A_7 = arith.constant 640 : i32
    %mul3A_8 = arith.muli %arg1, %mul3A_7 : i32
    %add3A_9 = arith.constant 0 : i32
    %add3A_10 = arith.addi %mul3A_8, %add3A_9 : i32
    "tpu.region"() ({
      %run_scoped3A = tpu.sem_alloc : memref<!tpu.dma_semaphore, #tpu.memory_space<semaphore_mem>>
      %dma_start3A = arith.constant 0 : i32
      %dma_start3A_26 = tpu.memref_slice %arg9[%add3A_10, %dma_start3A] : memref<10240x128xf32, #tpu.memory_space<vmem_shared>> -> memref<128x128xf32, #tpu.memory_space<vmem_shared>>
      %dma_start3A_27 = arith.constant 0 : i32
      %dma_start3A_28 = tpu.memref_slice %arg9[%add3A_10, %dma_start3A_27] : memref<10240x128xf32, #tpu.memory_space<vmem_shared>> -> memref<128x128xf32, #tpu.memory_space<vmem_shared>>
      tpu.enqueue_dma source(%arg8 : memref<128x128xf32, #tpu.memory_space<vmem>>) target(%dma_start3A_28 : memref<128x128xf32, #tpu.memory_space<vmem_shared>>) target_semaphore(%run_scoped3A : memref<!tpu.dma_semaphore, #tpu.memory_space<semaphore_mem>>)
      %dma_wait3A = arith.constant 0 : i32
      %dma_wait3A_29 = tpu.memref_slice %arg9[%add3A_10, %dma_wait3A] : memref<10240x128xf32, #tpu.memory_space<vmem_shared>> -> memref<128x128xf32, #tpu.memory_space<vmem_shared>>
      %dma_wait3A_30 = arith.constant 0 : i32
      %dma_wait3A_31 = tpu.memref_slice %arg9[%add3A_10, %dma_wait3A_30] : memref<10240x128xf32, #tpu.memory_space<vmem_shared>> -> memref<128x128xf32, #tpu.memory_space<vmem_shared>>
      tpu.wait_dma2 semaphore(%run_scoped3A : memref<!tpu.dma_semaphore, #tpu.memory_space<semaphore_mem>>) src(%arg8 : memref<128x128xf32, #tpu.memory_space<vmem>>) dst(%dma_wait3A_31 : memref<128x128xf32, #tpu.memory_space<vmem_shared>>)
      tpu.yield
    }) : () -> ()
    %add3A_11 = arith.constant 128 : i32
    %add3A_12 = arith.addi %mul3A_8, %add3A_11 : i32
    "tpu.region"() ({
      %run_scoped3A = tpu.sem_alloc : memref<!tpu.dma_semaphore, #tpu.memory_space<semaphore_mem>>
      %dma_start3A = arith.constant 0 : i32
      %dma_start3A_26 = tpu.memref_slice %arg9[%add3A_12, %dma_start3A] : memref<10240x128xf32, #tpu.memory_space<vmem_shared>> -> memref<128x128xf32, #tpu.memory_space<vmem_shared>>
      %dma_start3A_27 = arith.constant 0 : i32
      %dma_start3A_28 = tpu.memref_slice %arg9[%add3A_12, %dma_start3A_27] : memref<10240x128xf32, #tpu.memory_space<vmem_shared>> -> memref<128x128xf32, #tpu.memory_space<vmem_shared>>
      tpu.enqueue_dma source(%arg8 : memref<128x128xf32, #tpu.memory_space<vmem>>) target(%dma_start3A_28 : memref<128x128xf32, #tpu.memory_space<vmem_shared>>) target_semaphore(%run_scoped3A : memref<!tpu.dma_semaphore, #tpu.memory_space<semaphore_mem>>)
      %dma_wait3A = arith.constant 0 : i32
      %dma_wait3A_29 = tpu.memref_slice %arg9[%add3A_12, %dma_wait3A] : memref<10240x128xf32, #tpu.memory_space<vmem_shared>> -> memref<128x128xf32, #tpu.memory_space<vmem_shared>>
      %dma_wait3A_30 = arith.constant 0 : i32
      %dma_wait3A_31 = tpu.memref_slice %arg9[%add3A_12, %dma_wait3A_30] : memref<10240x128xf32, #tpu.memory_space<vmem_shared>> -> memref<128x128xf32, #tpu.memory_space<vmem_shared>>
      tpu.wait_dma2 semaphore(%run_scoped3A : memref<!tpu.dma_semaphore, #tpu.memory_space<semaphore_mem>>) src(%arg8 : memref<128x128xf32, #tpu.memory_space<vmem>>) dst(%dma_wait3A_31 : memref<128x128xf32, #tpu.memory_space<vmem_shared>>)
      tpu.yield
    }) : () -> ()
    %add3A_13 = arith.constant 256 : i32
    %add3A_14 = arith.addi %mul3A_8, %add3A_13 : i32
    "tpu.region"() ({
      %run_scoped3A = tpu.sem_alloc : memref<!tpu.dma_semaphore, #tpu.memory_space<semaphore_mem>>
      %dma_start3A = arith.constant 0 : i32
      %dma_start3A_26 = tpu.memref_slice %arg9[%add3A_14, %dma_start3A] : memref<10240x128xf32, #tpu.memory_space<vmem_shared>> -> memref<128x128xf32, #tpu.memory_space<vmem_shared>>
      %dma_start3A_27 = arith.constant 0 : i32
      %dma_start3A_28 = tpu.memref_slice %arg9[%add3A_14, %dma_start3A_27] : memref<10240x128xf32, #tpu.memory_space<vmem_shared>> -> memref<128x128xf32, #tpu.memory_space<vmem_shared>>
      tpu.enqueue_dma source(%arg8 : memref<128x128xf32, #tpu.memory_space<vmem>>) target(%dma_start3A_28 : memref<128x128xf32, #tpu.memory_space<vmem_shared>>) target_semaphore(%run_scoped3A : memref<!tpu.dma_semaphore, #tpu.memory_space<semaphore_mem>>)
      %dma_wait3A = arith.constant 0 : i32
      %dma_wait3A_29 = tpu.memref_slice %arg9[%add3A_14, %dma_wait3A] : memref<10240x128xf32, #tpu.memory_space<vmem_shared>> -> memref<128x128xf32, #tpu.memory_space<vmem_shared>>
      %dma_wait3A_30 = arith.constant 0 : i32
      %dma_wait3A_31 = tpu.memref_slice %arg9[%add3A_14, %dma_wait3A_30] : memref<10240x128xf32, #tpu.memory_space<vmem_shared>> -> memref<128x128xf32, #tpu.memory_space<vmem_shared>>
      tpu.wait_dma2 semaphore(%run_scoped3A : memref<!tpu.dma_semaphore, #tpu.memory_space<semaphore_mem>>) src(%arg8 : memref<128x128xf32, #tpu.memory_space<vmem>>) dst(%dma_wait3A_31 : memref<128x128xf32, #tpu.memory_space<vmem_shared>>)
      tpu.yield
    }) : () -> ()
    %add3A_15 = arith.constant 384 : i32
    %add3A_16 = arith.addi %mul3A_8, %add3A_15 : i32
    "tpu.region"() ({
      %run_scoped3A = tpu.sem_alloc : memref<!tpu.dma_semaphore, #tpu.memory_space<semaphore_mem>>
      %dma_start3A = arith.constant 0 : i32
      %dma_start3A_26 = tpu.memref_slice %arg9[%add3A_16, %dma_start3A] : memref<10240x128xf32, #tpu.memory_space<vmem_shared>> -> memref<128x128xf32, #tpu.memory_space<vmem_shared>>
      %dma_start3A_27 = arith.constant 0 : i32
      %dma_start3A_28 = tpu.memref_slice %arg9[%add3A_16, %dma_start3A_27] : memref<10240x128xf32, #tpu.memory_space<vmem_shared>> -> memref<128x128xf32, #tpu.memory_space<vmem_shared>>
      tpu.enqueue_dma source(%arg8 : memref<128x128xf32, #tpu.memory_space<vmem>>) target(%dma_start3A_28 : memref<128x128xf32, #tpu.memory_space<vmem_shared>>) target_semaphore(%run_scoped3A : memref<!tpu.dma_semaphore, #tpu.memory_space<semaphore_mem>>)
      %dma_wait3A = arith.constant 0 : i32
      %dma_wait3A_29 = tpu.memref_slice %arg9[%add3A_16, %dma_wait3A] : memref<10240x128xf32, #tpu.memory_space<vmem_shared>> -> memref<128x128xf32, #tpu.memory_space<vmem_shared>>
      %dma_wait3A_30 = arith.constant 0 : i32
      %dma_wait3A_31 = tpu.memref_slice %arg9[%add3A_16, %dma_wait3A_30] : memref<10240x128xf32, #tpu.memory_space<vmem_shared>> -> memref<128x128xf32, #tpu.memory_space<vmem_shared>>
      tpu.wait_dma2 semaphore(%run_scoped3A : memref<!tpu.dma_semaphore, #tpu.memory_space<semaphore_mem>>) src(%arg8 : memref<128x128xf32, #tpu.memory_space<vmem>>) dst(%dma_wait3A_31 : memref<128x128xf32, #tpu.memory_space<vmem_shared>>)
      tpu.yield
    }) : () -> ()
    %add3A_17 = arith.constant 512 : i32
    %add3A_18 = arith.addi %mul3A_8, %add3A_17 : i32
    "tpu.region"() ({
      %run_scoped3A = tpu.sem_alloc : memref<!tpu.dma_semaphore, #tpu.memory_space<semaphore_mem>>
      %dma_start3A = arith.constant 0 : i32
      %dma_start3A_26 = tpu.memref_slice %arg9[%add3A_18, %dma_start3A] : memref<10240x128xf32, #tpu.memory_space<vmem_shared>> -> memref<128x128xf32, #tpu.memory_space<vmem_shared>>
      %dma_start3A_27 = arith.constant 0 : i32
      %dma_start3A_28 = tpu.memref_slice %arg9[%add3A_18, %dma_start3A_27] : memref<10240x128xf32, #tpu.memory_space<vmem_shared>> -> memref<128x128xf32, #tpu.memory_space<vmem_shared>>
      tpu.enqueue_dma source(%arg8 : memref<128x128xf32, #tpu.memory_space<vmem>>) target(%dma_start3A_28 : memref<128x128xf32, #tpu.memory_space<vmem_shared>>) target_semaphore(%run_scoped3A : memref<!tpu.dma_semaphore, #tpu.memory_space<semaphore_mem>>)
      %dma_wait3A = arith.constant 0 : i32
      %dma_wait3A_29 = tpu.memref_slice %arg9[%add3A_18, %dma_wait3A] : memref<10240x128xf32, #tpu.memory_space<vmem_shared>> -> memref<128x128xf32, #tpu.memory_space<vmem_shared>>
      %dma_wait3A_30 = arith.constant 0 : i32
      %dma_wait3A_31 = tpu.memref_slice %arg9[%add3A_18, %dma_wait3A_30] : memref<10240x128xf32, #tpu.memory_space<vmem_shared>> -> memref<128x128xf32, #tpu.memory_space<vmem_shared>>
      tpu.wait_dma2 semaphore(%run_scoped3A : memref<!tpu.dma_semaphore, #tpu.memory_space<semaphore_mem>>) src(%arg8 : memref<128x128xf32, #tpu.memory_space<vmem>>) dst(%dma_wait3A_31 : memref<128x128xf32, #tpu.memory_space<vmem_shared>>)
      tpu.yield
    }) : () -> ()
    %barrier3A = arith.constant 0 : index
    tpu.barrier barrier_id(%barrier3A)
    "tpu.region"() ({
      %run_scoped3A = tpu.sem_alloc : memref<!tpu.dma_semaphore, #tpu.memory_space<semaphore_mem>>
      %dma_start3A = arith.constant 0 : i32
      %dma_start3A_26 = arith.constant 0 : i32
      %dma_start3A_27 = tpu.memref_slice %arg3[%add3A, %dma_start3A, %dma_start3A_26] : memref<32x79x128xi32, #tpu.memory_space<hbm>> -> memref<1x79x128xi32, #tpu.memory_space<hbm>>
      %dma_start3A_28 = tpu.memref_squeeze %dma_start3A_27 : memref<1x79x128xi32, #tpu.memory_space<hbm>> -> memref<79x128xi32, #tpu.memory_space<hbm>>
      %dma_start3A_29 = arith.constant 0 : i32
      %dma_start3A_30 = arith.constant 0 : i32
      %dma_start3A_31 = tpu.memref_slice %arg3[%add3A, %dma_start3A_29, %dma_start3A_30] : memref<32x79x128xi32, #tpu.memory_space<hbm>> -> memref<1x79x128xi32, #tpu.memory_space<hbm>>
      %dma_start3A_32 = tpu.memref_squeeze %dma_start3A_31 : memref<1x79x128xi32, #tpu.memory_space<hbm>> -> memref<79x128xi32, #tpu.memory_space<hbm>>
      tpu.enqueue_dma source(%dma_start3A_32 : memref<79x128xi32, #tpu.memory_space<hbm>>) target(%arg6 : memref<79x128xi32, #tpu.memory_space<vmem>>) target_semaphore(%run_scoped3A : memref<!tpu.dma_semaphore, #tpu.memory_space<semaphore_mem>>)
      %dma_wait3A = arith.constant 0 : i32
      %dma_wait3A_33 = arith.constant 0 : i32
      %dma_wait3A_34 = tpu.memref_slice %arg3[%add3A, %dma_wait3A, %dma_wait3A_33] : memref<32x79x128xi32, #tpu.memory_space<hbm>> -> memref<1x79x128xi32, #tpu.memory_space<hbm>>
      %dma_wait3A_35 = tpu.memref_squeeze %dma_wait3A_34 : memref<1x79x128xi32, #tpu.memory_space<hbm>> -> memref<79x128xi32, #tpu.memory_space<hbm>>
      %dma_wait3A_36 = arith.constant 0 : i32
      %dma_wait3A_37 = arith.constant 0 : i32
      %dma_wait3A_38 = tpu.memref_slice %arg3[%add3A, %dma_wait3A_36, %dma_wait3A_37] : memref<32x79x128xi32, #tpu.memory_space<hbm>> -> memref<1x79x128xi32, #tpu.memory_space<hbm>>
      %dma_wait3A_39 = tpu.memref_squeeze %dma_wait3A_38 : memref<1x79x128xi32, #tpu.memory_space<hbm>> -> memref<79x128xi32, #tpu.memory_space<hbm>>
      tpu.wait_dma2 semaphore(%run_scoped3A : memref<!tpu.dma_semaphore, #tpu.memory_space<semaphore_mem>>) src(%dma_wait3A_39 : memref<79x128xi32, #tpu.memory_space<hbm>>) dst(%arg6 : memref<79x128xi32, #tpu.memory_space<vmem>>)
      tpu.yield
    }) : () -> ()
    "tpu.region"() ({
      %run_scoped3A = tpu.sem_alloc : memref<!tpu.dma_semaphore, #tpu.memory_space<semaphore_mem>>
      %dma_start3A = arith.constant 0 : i32
      %dma_start3A_26 = arith.constant 0 : i32
      %dma_start3A_27 = tpu.memref_slice %arg4[%add3A, %dma_start3A, %dma_start3A_26] : memref<32x79x128xi32, #tpu.memory_space<hbm>> -> memref<1x79x128xi32, #tpu.memory_space<hbm>>
      %dma_start3A_28 = tpu.memref_squeeze %dma_start3A_27 : memref<1x79x128xi32, #tpu.memory_space<hbm>> -> memref<79x128xi32, #tpu.memory_space<hbm>>
      %dma_start3A_29 = arith.constant 0 : i32
      %dma_start3A_30 = arith.constant 0 : i32
      %dma_start3A_31 = tpu.memref_slice %arg4[%add3A, %dma_start3A_29, %dma_start3A_30] : memref<32x79x128xi32, #tpu.memory_space<hbm>> -> memref<1x79x128xi32, #tpu.memory_space<hbm>>
      %dma_start3A_32 = tpu.memref_squeeze %dma_start3A_31 : memref<1x79x128xi32, #tpu.memory_space<hbm>> -> memref<79x128xi32, #tpu.memory_space<hbm>>
      tpu.enqueue_dma source(%dma_start3A_32 : memref<79x128xi32, #tpu.memory_space<hbm>>) target(%arg7 : memref<79x128xi32, #tpu.memory_space<vmem>>) target_semaphore(%run_scoped3A : memref<!tpu.dma_semaphore, #tpu.memory_space<semaphore_mem>>)
      %dma_wait3A = arith.constant 0 : i32
      %dma_wait3A_33 = arith.constant 0 : i32
      %dma_wait3A_34 = tpu.memref_slice %arg4[%add3A, %dma_wait3A, %dma_wait3A_33] : memref<32x79x128xi32, #tpu.memory_space<hbm>> -> memref<1x79x128xi32, #tpu.memory_space<hbm>>
      %dma_wait3A_35 = tpu.memref_squeeze %dma_wait3A_34 : memref<1x79x128xi32, #tpu.memory_space<hbm>> -> memref<79x128xi32, #tpu.memory_space<hbm>>
      %dma_wait3A_36 = arith.constant 0 : i32
      %dma_wait3A_37 = arith.constant 0 : i32
      %dma_wait3A_38 = tpu.memref_slice %arg4[%add3A, %dma_wait3A_36, %dma_wait3A_37] : memref<32x79x128xi32, #tpu.memory_space<hbm>> -> memref<1x79x128xi32, #tpu.memory_space<hbm>>
      %dma_wait3A_39 = tpu.memref_squeeze %dma_wait3A_38 : memref<1x79x128xi32, #tpu.memory_space<hbm>> -> memref<79x128xi32, #tpu.memory_space<hbm>>
      tpu.wait_dma2 semaphore(%run_scoped3A : memref<!tpu.dma_semaphore, #tpu.memory_space<semaphore_mem>>) src(%dma_wait3A_39 : memref<79x128xi32, #tpu.memory_space<hbm>>) dst(%arg7 : memref<79x128xi32, #tpu.memory_space<vmem>>)
      tpu.yield
    }) : () -> ()
    %scan3A_19 = arith.constant 0 : i32
    %scan3A_20 = arith.constant 0 : i32
    %scan3A_21 = arith.constant 79 : i32
    %scan3A_22 = arith.addi %scan3A_20, %scan3A_21 : i32
    %scan3A_23 = arith.constant 1 : i32
    scf.for %scan3A_26 = %scan3A_20 to %scan3A_22 step %scan3A_23  : i32 {
      %dma_start3A = arith.constant 0 : i32
      %dma_start3A_27 = tpu.memref_slice %arg6[%scan3A_26, %dma_start3A] : memref<79x128xi32, #tpu.memory_space<vmem>> -> memref<1x128xi32, #tpu.memory_space<vmem>>
      %dma_start3A_28 = tpu.memref_squeeze %dma_start3A_27 : memref<1x128xi32, #tpu.memory_space<vmem>> -> memref<128xi32, #tpu.memory_space<vmem>>
      %dma_start3A_29 = arith.constant 0 : i32
      %dma_start3A_30 = arith.constant 0 : i32
      %dma_start3A_31 = tpu.memref_slice %arg2[%dma_start3A_29, %dma_start3A_30] : memref<10000x128xf32, #tpu.memory_space<hbm>> -> memref<10000x128xf32, #tpu.memory_space<hbm>>
      tpu.enqueue_indirect_dma source(%dma_start3A_31 : memref<10000x128xf32, #tpu.memory_space<hbm>>) target(%arg8 : memref<128x128xf32, #tpu.memory_space<vmem>>) offsets(%dma_start3A_28 : memref<128xi32, #tpu.memory_space<vmem>>) semaphore(%arg10 : memref<!tpu.dma_semaphore, #tpu.memory_space<semaphore_mem>>)
      %dma_wait3A = arith.constant 0 : i32
      %dma_wait3A_32 = tpu.memref_slice %arg6[%scan3A_26, %dma_wait3A] : memref<79x128xi32, #tpu.memory_space<vmem>> -> memref<1x128xi32, #tpu.memory_space<vmem>>
      %dma_wait3A_33 = tpu.memref_squeeze %dma_wait3A_32 : memref<1x128xi32, #tpu.memory_space<vmem>> -> memref<128xi32, #tpu.memory_space<vmem>>
      %dma_wait3A_34 = arith.constant 0 : i32
      %dma_wait3A_35 = arith.constant 0 : i32
      %dma_wait3A_36 = tpu.memref_slice %arg2[%dma_wait3A_34, %dma_wait3A_35] : memref<10000x128xf32, #tpu.memory_space<hbm>> -> memref<10000x128xf32, #tpu.memory_space<hbm>>
      tpu.wait_indirect_dma semaphore(%arg10 : memref<!tpu.dma_semaphore, #tpu.memory_space<semaphore_mem>>) src(%dma_wait3A_36 : memref<10000x128xf32, #tpu.memory_space<hbm>>) dst(%arg8 : memref<128x128xf32, #tpu.memory_space<vmem>>)
      "tpu.region"() ({
        %run_scoped3A = tpu.sem_alloc : memref<!tpu.dma_semaphore, #tpu.memory_space<semaphore_mem>>
        %dma_start3A_37 = arith.constant 0 : i32
        %dma_start3A_38 = tpu.memref_slice %arg7[%scan3A_26, %dma_start3A_37] : memref<79x128xi32, #tpu.memory_space<vmem>> -> memref<1x128xi32, #tpu.memory_space<vmem>>
        %dma_start3A_39 = tpu.memref_squeeze %dma_start3A_38 : memref<1x128xi32, #tpu.memory_space<vmem>> -> memref<128xi32, #tpu.memory_space<vmem>>
        %dma_start3A_40 = arith.constant 0 : i32
        %dma_start3A_41 = arith.constant 0 : i32
        %dma_start3A_42 = tpu.memref_slice %arg9[%dma_start3A_40, %dma_start3A_41] : memref<10240x128xf32, #tpu.memory_space<vmem_shared>> -> memref<10240x128xf32, #tpu.memory_space<vmem_shared>>
        tpu.enqueue_indirect_dma source(%arg8 : memref<128x128xf32, #tpu.memory_space<vmem>>) target(%dma_start3A_42 : memref<10240x128xf32, #tpu.memory_space<vmem_shared>>) offsets(%dma_start3A_39 : memref<128xi32, #tpu.memory_space<vmem>>) semaphore(%run_scoped3A : memref<!tpu.dma_semaphore, #tpu.memory_space<semaphore_mem>>) {add = true}
        %dma_wait3A_43 = arith.constant 0 : i32
        %dma_wait3A_44 = tpu.memref_slice %arg7[%scan3A_26, %dma_wait3A_43] : memref<79x128xi32, #tpu.memory_space<vmem>> -> memref<1x128xi32, #tpu.memory_space<vmem>>
        %dma_wait3A_45 = tpu.memref_squeeze %dma_wait3A_44 : memref<1x128xi32, #tpu.memory_space<vmem>> -> memref<128xi32, #tpu.memory_space<vmem>>
        %dma_wait3A_46 = arith.constant 0 : i32
        %dma_wait3A_47 = arith.constant 0 : i32
        %dma_wait3A_48 = tpu.memref_slice %arg9[%dma_wait3A_46, %dma_wait3A_47] : memref<10240x128xf32, #tpu.memory_space<vmem_shared>> -> memref<10240x128xf32, #tpu.memory_space<vmem_shared>>
        tpu.wait_indirect_dma semaphore(%run_scoped3A : memref<!tpu.dma_semaphore, #tpu.memory_space<semaphore_mem>>) src(%arg8 : memref<128x128xf32, #tpu.memory_space<vmem>>) dst(%dma_wait3A_48 : memref<10240x128xf32, #tpu.memory_space<vmem_shared>>)
        tpu.yield
      }) : () -> ()
    }
    %scan3A_24 = arith.constant 79 : i32
    %barrier3A_25 = arith.constant 0 : index
    tpu.barrier barrier_id(%barrier3A_25)
    "tpu.region"() ({
      %run_scoped3A = tpu.sem_alloc : memref<!tpu.dma_semaphore, #tpu.memory_space<semaphore_mem>>
      %dma_start3A = arith.constant 0 : i32
      %dma_start3A_26 = tpu.memref_slice %arg5[%arg0, %mul3A_8, %dma_start3A] : memref<2x10240x128xf32, #tpu.memory_space<hbm>> -> memref<1x640x128xf32, #tpu.memory_space<hbm>>
      %dma_start3A_27 = tpu.memref_squeeze %dma_start3A_26 : memref<1x640x128xf32, #tpu.memory_space<hbm>> -> memref<640x128xf32, #tpu.memory_space<hbm>>
      %dma_start3A_28 = arith.constant 0 : i32
      %dma_start3A_29 = tpu.memref_slice %arg9[%mul3A_8, %dma_start3A_28] : memref<10240x128xf32, #tpu.memory_space<vmem_shared>> -> memref<640x128xf32, #tpu.memory_space<vmem_shared>>
      tpu.enqueue_dma source(%dma_start3A_29 : memref<640x128xf32, #tpu.memory_space<vmem_shared>>) target(%dma_start3A_27 : memref<640x128xf32, #tpu.memory_space<hbm>>) target_semaphore(%run_scoped3A : memref<!tpu.dma_semaphore, #tpu.memory_space<semaphore_mem>>)
      %dma_wait3A = arith.constant 0 : i32
      %dma_wait3A_30 = tpu.memref_slice %arg5[%arg0, %mul3A_8, %dma_wait3A] : memref<2x10240x128xf32, #tpu.memory_space<hbm>> -> memref<1x640x128xf32, #tpu.memory_space<hbm>>
      %dma_wait3A_31 = tpu.memref_squeeze %dma_wait3A_30 : memref<1x640x128xf32, #tpu.memory_space<hbm>> -> memref<640x128xf32, #tpu.memory_space<hbm>>
      %dma_wait3A_32 = arith.constant 0 : i32
      %dma_wait3A_33 = tpu.memref_slice %arg9[%mul3A_8, %dma_wait3A_32] : memref<10240x128xf32, #tpu.memory_space<vmem_shared>> -> memref<640x128xf32, #tpu.memory_space<vmem_shared>>
      tpu.wait_dma2 semaphore(%run_scoped3A : memref<!tpu.dma_semaphore, #tpu.memory_space<semaphore_mem>>) src(%dma_wait3A_33 : memref<640x128xf32, #tpu.memory_space<vmem_shared>>) dst(%dma_wait3A_31 : memref<640x128xf32, #tpu.memory_space<hbm>>)
      tpu.yield
    }) : () -> ()
    return
  }
}

module attributes {stable_mosaic.version = 14 : i64} {
  func.func @_mid_body(%arg0: i32, %arg1: memref<1x1000x128xf32, #tpu.memory_space<vmem>>, %arg2: memref<1x1000x128xf32, #tpu.memory_space<vmem>>, %arg3: memref<128x128xf32, #tpu.memory_space<vmem>>, %arg4: memref<1x128xf32, #tpu.memory_space<vmem>>, %arg5: memref<128x64xf32, #tpu.memory_space<vmem>>, %arg6: memref<1000x64xf32, #tpu.memory_space<vmem>>) attributes {dimension_semantics = [#tpu.dimension_semantics<arbitrary>], iteration_bounds = array<i64: 10>, scalar_prefetch = 0 : i64, scratch_operands = 0 : i64, tpu.core_type = #tpu.core_type<tc>, window_params = [{transform_indices = @transform_0, window_bounds = array<i64: 1, 1000, 128>}, {transform_indices = @transform_1, window_bounds = array<i64: 1, 1000, 128>}, {pipeline_mode = #tpu.pipeline_mode<synchronous>, transform_indices = @transform_2, window_bounds = array<i64: 128, 128>}, {pipeline_mode = #tpu.pipeline_mode<synchronous>, transform_indices = @transform_3, window_bounds = array<i64: 1, 128>}, {pipeline_mode = #tpu.pipeline_mode<synchronous>, transform_indices = @transform_4, window_bounds = array<i64: 128, 64>}, {transform_indices = @transform_5, window_bounds = array<i64: 1000, 64>}]} {
    %get3A = arith.constant 0 : index
    %get3A_0 = arith.constant 0 : index
    %get3A_1 = arith.constant 0 : index
    %get3A_2 = vector.load %arg1[%get3A, %get3A_0, %get3A_1] : memref<1x1000x128xf32, #tpu.memory_space<vmem>>, vector<1x1000x128xf32>
    %get3A_3 = vector.shape_cast %get3A_2 : vector<1x1000x128xf32> to vector<1000x128xf32>
    %get3A_4 = arith.constant 0 : index
    %get3A_5 = arith.constant 0 : index
    %get3A_6 = arith.constant 0 : index
    %get3A_7 = vector.load %arg2[%get3A_4, %get3A_5, %get3A_6] : memref<1x1000x128xf32, #tpu.memory_space<vmem>>, vector<1x1000x128xf32>
    %get3A_8 = vector.shape_cast %get3A_7 : vector<1x1000x128xf32> to vector<1000x128xf32>
    %add3A = arith.addf %get3A_3, %get3A_8 : vector<1000x128xf32>
    %get3A_9 = arith.constant 0 : index
    %get3A_10 = arith.constant 0 : index
    %get3A_11 = vector.load %arg3[%get3A_9, %get3A_10] : memref<128x128xf32, #tpu.memory_space<vmem>>, vector<128x128xf32>
    %dot_general3A = arith.constant dense<0.000000e+00> : vector<1000x128xf32>
    %dot_general3A_12 = tpu.matmul %add3A, %get3A_11, %dot_general3A {dimension_numbers = #tpu.dot_dimension_numbers<[1], [0], [0], [1], [0, 0, 1, 1], [], []>, transpose_lhs_hint = false} : vector<1000x128xf32>, vector<128x128xf32>, vector<1000x128xf32> -> vector<1000x128xf32>
    %get3A_13 = arith.constant 0 : index
    %get3A_14 = arith.constant 0 : index
    %get3A_15 = vector.load %arg4[%get3A_13, %get3A_14] : memref<1x128xf32, #tpu.memory_space<vmem>>, vector<1x128xf32>
    %add3A_16 = vector.broadcast %get3A_15 : vector<1x128xf32> to vector<1000x128xf32>
    %add3A_17 = arith.addf %dot_general3A_12, %add3A_16 : vector<1000x128xf32>
    %max3A = arith.constant 0.000000e+00 : f32
    %max3A_18 = vector.broadcast %max3A : f32 to vector<1000x128xf32>
    %max3A_19 = arith.maximumf %add3A_17, %max3A_18 : vector<1000x128xf32>
    %get3A_20 = arith.constant 0 : index
    %get3A_21 = arith.constant 0 : index
    %get3A_22 = vector.load %arg5[%get3A_20, %get3A_21] : memref<128x64xf32, #tpu.memory_space<vmem>>, vector<128x64xf32>
    %dot_general3A_23 = arith.constant dense<0.000000e+00> : vector<1000x64xf32>
    %dot_general3A_24 = tpu.matmul %max3A_19, %get3A_22, %dot_general3A_23 {dimension_numbers = #tpu.dot_dimension_numbers<[1], [0], [0], [1], [0, 0, 1, 1], [], []>, transpose_lhs_hint = false} : vector<1000x128xf32>, vector<128x64xf32>, vector<1000x64xf32> -> vector<1000x64xf32>
    %swap3A = arith.constant 0 : index
    %swap3A_25 = arith.constant 0 : index
    %swap3A_26 = vector.load %arg6[%swap3A, %swap3A_25] : memref<1000x64xf32, #tpu.memory_space<vmem>>, vector<1000x64xf32>
    tpu.vector_store %arg6[%swap3A, %swap3A_25], %dot_general3A_24 {strides = array<i32>} : memref<1000x64xf32, #tpu.memory_space<vmem>>, vector<1000x64xf32>,
    return
  }
  func.func @transform_0(%arg0: i32) -> (i32, i32, i32) {
    %c0_i32 = arith.constant 0 : i32
    %c0_i32_0 = arith.constant 0 : i32
    %c0_i32_1 = arith.constant 0 : i32
    return %c0_i32, %arg0, %c0_i32_0 : i32, i32, i32
  }
  func.func @transform_1(%arg0: i32) -> (i32, i32, i32) {
    %c1_i32 = arith.constant 1 : i32
    %c0_i32 = arith.constant 0 : i32
    %c0_i32_0 = arith.constant 0 : i32
    return %c1_i32, %arg0, %c0_i32 : i32, i32, i32
  }
  func.func @transform_2(%arg0: i32) -> (i32, i32) {
    %c0_i32 = arith.constant 0 : i32
    %c0_i32_0 = arith.constant 0 : i32
    %c0_i32_1 = arith.constant 0 : i32
    return %c0_i32, %c0_i32_0 : i32, i32
  }
  func.func @transform_3(%arg0: i32) -> (i32, i32) {
    %c0_i32 = arith.constant 0 : i32
    %c0_i32_0 = arith.constant 0 : i32
    %c0_i32_1 = arith.constant 0 : i32
    return %c0_i32, %c0_i32_0 : i32, i32
  }
  func.func @transform_4(%arg0: i32) -> (i32, i32) {
    %c0_i32 = arith.constant 0 : i32
    %c0_i32_0 = arith.constant 0 : i32
    %c0_i32_1 = arith.constant 0 : i32
    return %c0_i32, %c0_i32_0 : i32, i32
  }
  func.func @transform_5(%arg0: i32) -> (i32, i32) {
    %c0_i32 = arith.constant 0 : i32
    %c0_i32_0 = arith.constant 0 : i32
    return %arg0, %c0_i32 : i32, i32
  }
}

module attributes {stable_mosaic.version = 14 : i64} {
  func.func @_fin_body(%arg0: i32, %arg1: memref<1x1000x64xf32, #tpu.memory_space<vmem>>, %arg2: memref<1x1000x64xf32, #tpu.memory_space<vmem>>, %arg3: memref<1x64xf32, #tpu.memory_space<vmem>>, %arg4: memref<1000x64xf32, #tpu.memory_space<vmem>>) attributes {dimension_semantics = [#tpu.dimension_semantics<arbitrary>], iteration_bounds = array<i64: 10>, scalar_prefetch = 0 : i64, scratch_operands = 0 : i64, tpu.core_type = #tpu.core_type<tc>, window_params = [{transform_indices = @transform_0, window_bounds = array<i64: 1, 1000, 64>}, {transform_indices = @transform_1, window_bounds = array<i64: 1, 1000, 64>}, {pipeline_mode = #tpu.pipeline_mode<synchronous>, transform_indices = @transform_2, window_bounds = array<i64: 1, 64>}, {transform_indices = @transform_3, window_bounds = array<i64: 1000, 64>}]} {
    %get3A = arith.constant 0 : index
    %get3A_0 = arith.constant 0 : index
    %get3A_1 = arith.constant 0 : index
    %get3A_2 = vector.load %arg1[%get3A, %get3A_0, %get3A_1] : memref<1x1000x64xf32, #tpu.memory_space<vmem>>, vector<1x1000x64xf32>
    %get3A_3 = vector.shape_cast %get3A_2 : vector<1x1000x64xf32> to vector<1000x64xf32>
    %get3A_4 = arith.constant 0 : index
    %get3A_5 = arith.constant 0 : index
    %get3A_6 = arith.constant 0 : index
    %get3A_7 = vector.load %arg2[%get3A_4, %get3A_5, %get3A_6] : memref<1x1000x64xf32, #tpu.memory_space<vmem>>, vector<1x1000x64xf32>
    %get3A_8 = vector.shape_cast %get3A_7 : vector<1x1000x64xf32> to vector<1000x64xf32>
    %add3A = arith.addf %get3A_3, %get3A_8 : vector<1000x64xf32>
    %get3A_9 = arith.constant 0 : index
    %get3A_10 = arith.constant 0 : index
    %get3A_11 = vector.load %arg3[%get3A_9, %get3A_10] : memref<1x64xf32, #tpu.memory_space<vmem>>, vector<1x64xf32>
    %add3A_12 = vector.broadcast %get3A_11 : vector<1x64xf32> to vector<1000x64xf32>
    %add3A_13 = arith.addf %add3A, %add3A_12 : vector<1000x64xf32>
    %reduce_max3A = arith.constant dense<0xFF800000> : vector<1000xf32>
    %reduce_max3A_14 = vector.multi_reduction <maximumf>, %add3A_13, %reduce_max3A [1] : vector<1000x64xf32> to vector<1000xf32>
    %broadcast_in_dim3A = vector.shape_cast %reduce_max3A_14 : vector<1000xf32> to vector<1000x1xf32>
    %sub3A = vector.broadcast %broadcast_in_dim3A : vector<1000x1xf32> to vector<1000x64xf32>
    %sub3A_15 = arith.subf %add3A_13, %sub3A : vector<1000x64xf32>
    %exp3A = math.exp %sub3A_15 : vector<1000x64xf32>
    %reduce_sum3A = arith.constant dense<0.000000e+00> : vector<1000xf32>
    %reduce_sum3A_16 = vector.multi_reduction <add>, %exp3A, %reduce_sum3A [1] : vector<1000x64xf32> to vector<1000xf32>
    %broadcast_in_dim3A_17 = vector.shape_cast %reduce_sum3A_16 : vector<1000xf32> to vector<1000x1xf32>
    %sub3A_18 = vector.broadcast %broadcast_in_dim3A : vector<1000x1xf32> to vector<1000x64xf32>
    %sub3A_19 = arith.subf %add3A_13, %sub3A_18 : vector<1000x64xf32>
    %log3A = math.log %broadcast_in_dim3A_17 : vector<1000x1xf32>
    %sub3A_20 = vector.broadcast %log3A : vector<1000x1xf32> to vector<1000x64xf32>
    %sub3A_21 = arith.subf %sub3A_19, %sub3A_20 : vector<1000x64xf32>
    %swap3A = arith.constant 0 : index
    %swap3A_22 = arith.constant 0 : index
    %swap3A_23 = vector.load %arg4[%swap3A, %swap3A_22] : memref<1000x64xf32, #tpu.memory_space<vmem>>, vector<1000x64xf32>
    tpu.vector_store %arg4[%swap3A, %swap3A_22], %sub3A_21 {strides = array<i32>} : memref<1000x64xf32, #tpu.memory_space<vmem>>, vector<1000x64xf32>,
    return
  }
  func.func @transform_0(%arg0: i32) -> (i32, i32, i32) {
    %c0_i32 = arith.constant 0 : i32
    %c0_i32_0 = arith.constant 0 : i32
    %c0_i32_1 = arith.constant 0 : i32
    return %c0_i32, %arg0, %c0_i32_0 : i32, i32, i32
  }
  func.func @transform_1(%arg0: i32) -> (i32, i32, i32) {
    %c1_i32 = arith.constant 1 : i32
    %c0_i32 = arith.constant 0 : i32
    %c0_i32_0 = arith.constant 0 : i32
    return %c1_i32, %arg0, %c0_i32 : i32, i32, i32
  }
  func.func @transform_2(%arg0: i32) -> (i32, i32) {
    %c0_i32 = arith.constant 0 : i32
    %c0_i32_0 = arith.constant 0 : i32
    %c0_i32_1 = arith.constant 0 : i32
    return %c0_i32, %c0_i32_0 : i32, i32
  }
  func.func @transform_3(%arg0: i32) -> (i32, i32) {
    %c0_i32 = arith.constant 0 : i32
    %c0_i32_0 = arith.constant 0 : i32
    return %arg0, %c0_i32 : i32, i32
  }
}

</mosaic_0001>

<sc_bundles>
// kernel: kernel.6.cloned.1.call-start
scs
__scs_entry_jumppad:
0x0: {  	(pc) =	sbr.rel $0x88, $3  }
0x1: {  	(tag) =	ssettag $0x0;
	lr =	simm.s32 $0x1  }
0x2: {  	[smem:$0x3F9B] =	sst lr;
	_ =	strace $0xD0000000  }
0x3: {  	_ = 	snop  }
0x4: {  	_ = 	snop  }
0x5: {  	_ = 	snop  }
0x6: {  	_ = 	snop  }
0x7: {  	_ = 	snop  }
__scs_overlays_trampoline_lowered:
0x8: {  	[smem:$0x3FAA] =	sst s0  }
0x9: {  	[smem:$0x3FAB] =	sst s1  }
0xa: {  	[smem:$0x3FAC] =	sst s2  }
0xb: {  	[smem:$0x3FAD] =	sst s3  }
0xc: {  	[smem:$0x3FAE] =	sst s4  }
0xd: {  	[smem:$0x3FAF] =	sst s5  }
0xe: {  	[smem:$0x3FB0] =	sst s6  }
0xf: {  	[smem:$0x3FB1] =	sst s7  }
0x10: {  	[smem:$0x3FB2] =	sst s8  }
0x11: {  	[smem:$0x3FB3] =	sst s9;
	s0 =	simm.s32 @!p0 $0x0  }
0x12: {  	s1 =	sld [smem:$0x3F99];
	s0 =	simm.s32 @p0 $0x1  }
0x13: {  	[smem:$0x3FB4] =	sst s0;
	s0 =	simm.s32 @!p1 $0x0  }
0x14: {  	s2 =	sld [smem:$0x3F98];
	s0 =	simm.s32 @p1 $0x1  }
0x15: {  	[smem:$0x3FB5] =	sst s0;
	s0 =	simm.s32 @!p2 $0x0  }
0x16: {  	s3 =	sld [smem:$0x3FDB];
	s0 =	simm.s32 @p2 $0x1  }
0x17: {  	s4 =	simm.s32 $0x1BF5;
	[smem:$0x3FB7] =	sst s0  }
0x18: {  	s0 =	sld [smem:$0x3F9A];
	_ =	swait.ge [sflag:s4], $0x0  }
0x19: {  	s7 =	sld [smem:$0x3F9B]  }
0x1a: {  	s8 =	sadd.s32 $0xFFFFE003, lr  }
0x1b: {  	s9 =	sadd.s32 $0xFFFFFEF7, lr;
	s5 =	simm.s32 $0xFFFFFFFF;
	p2 =	slt.u32 s8, $0xFFFFF086  }
0x1c: {  	p1 =	slt.u32 s9, $0xF7A;
	s5 =	simm.s32 @!p2 $0x0  }
0x1d: {  	s5 =	simm.s32 @p1 $0x1;
	p0 =	seq.s32 s7, s2  }
0x1e: {  	s7 =	smul.u32 @!p0 $0xF7A, s2;
	p2 =	seq.s32 @!p0 s5, $0x0  }
0x1f: {  	s9 =	smul.u32 $0xF7A, s1;
	s8 =	simm.s32 @!p0 $0x1BF5;
	p2 =	por !p2, p0  }
0x20: {  	[sflag:s8] =	ssyncset.s32 @!p0 $0xFFFFF086;
	s6 =	sadd.s32 @!p0 s3, s7;
	s7 =	simm.s32 @!p0 $0x108  }
0x21: {  	s3 =	sadd.s32 s3, s9;
	s6 =	sadd.s32 @!p0 $0x88, s6;
	s7 =	simm.s32 @p2 $0x1082  }
0x22: {  	[simem:s7], [sflag:s8] =	dma.local @!p0 [hbm:s6], $0xF7A  }
0x23: {  	s9 =	sor.u32 $0xD0000000, s2;
	s6 =	simm.s32 $0x108;
	_ =	swait.ge @!p0 [sflag:s8], $0x0  }
0x24: {  	s3 =	sadd.s32 $0x88, s3;
	s6 =	simm.s32 @!p1 $0x1082;
	[sflag:s4] =	ssyncset.s32 $0xFFFFF086  }
0x25: {  	[simem:s6], [sflag:s4] =	dma.local [hbm:s3], $0xF7A  }
0x26: {  	[smem:$0x3F9B] =	sst s1;
	(tag) =	ssettag s2;
	_ =	strace s9  }
0x27: {  	s1 =	sld [smem:$0x3FAB]  }
0x28: {  	s2 =	sld [smem:$0x3FAC]  }
0x29: {  	s4 =	sld [smem:$0x3FAE]  }
0x2a: {  	p0 =	seq.s32 s5, $0x0;
	s5 =	sld [smem:$0x3FAF]  }
0x2b: {  	s6 =	sld [smem:$0x3FB0]  }
0x2c: {  	s7 =	sld [smem:$0x3FB1]  }
0x2d: {  	s3 =	simm.s32 $0x108;
	s8 =	sld [smem:$0x3FB2]  }
0x2e: {  	s3 =	simm.s32 @!p0 $0x1082;
	s9 =	sld [smem:$0x3FB3]  }
0x2f: {  	lr =	sadd.s32 s0, s3;
	s0 =	sld [smem:$0x3FAA]  }
0x30: {  	s3 =	sld [smem:$0x3FAD]  }
0x31: {  	[smem:$0x3FB6] =	sst s10  }
0x32: {  	s10 =	sld [smem:$0x3FB4];
	_ =	sdelay $0x3  }
0x33: {  	p0 =	seq.s32 s10, $0x1;
	s10 =	sld [smem:$0x3FB6];
	_ =	sdelay $0x3  }
0x34: {  	[smem:$0x3FB6] =	sst s10  }
0x35: {  	s10 =	sld [smem:$0x3FB5];
	_ =	sdelay $0x3  }
0x36: {  	p1 =	seq.s32 s10, $0x1;
	s10 =	sld [smem:$0x3FB6];
	_ =	sdelay $0x3  }
0x37: {  	[smem:$0x3FB6] =	sst s10  }
0x38: {  	s10 =	sld [smem:$0x3FB7]  }
0x39: {  	_ = 	snop;
	(pc) =	sbr.ind lr, $3  }
0x3a: {  	_ = 	snop  }
0x3b: {  	_ = 	snop  }
0x3c: {  	p2 =	seq.s32 s10, $0x1;
	s10 =	sld [smem:$0x3FB6]  }
0x3d: {  	_ =	shalt  }
0x3e: {  	_ =	shalt  }
0x3f: {  	_ =	shalt  }
0x40: {  	_ =	shalt  }
0x41: {  	_ =	shalt  }
0x42: {  	_ =	shalt  }
0x43: {  	_ =	shalt  }
0x44: {  	_ =	shalt  }
0x45: {  	_ =	shalt  }
0x46: {  	_ =	shalt  }
0x47: {  	_ =	shalt  }
0x48: {  	_ =	shalt  }
0x49: {  	_ =	shalt  }
0x4a: {  	_ =	shalt  }
0x4b: {  	_ =	shalt  }
0x4c: {  	_ =	shalt  }
0x4d: {  	_ =	shalt  }
0x4e: {  	_ =	shalt  }
0x4f: {  	_ =	shalt  }
0x50: {  	_ =	shalt  }
0x51: {  	_ =	shalt  }
0x52: {  	_ =	shalt  }
0x53: {  	_ =	shalt  }
0x54: {  	_ =	shalt  }
0x55: {  	_ =	shalt  }
0x56: {  	_ =	shalt  }
0x57: {  	_ =	shalt  }
0x58: {  	_ =	shalt  }
0x59: {  	_ =	shalt  }
0x5a: {  	_ =	shalt  }
0x5b: {  	_ =	shalt  }
0x5c: {  	_ =	shalt  }
0x5d: {  	_ =	shalt  }
0x5e: {  	_ =	shalt  }
0x5f: {  	_ =	shalt  }
0x60: {  	_ =	shalt  }
0x61: {  	_ =	shalt  }
0x62: {  	_ =	shalt  }
0x63: {  	_ =	shalt  }
0x64: {  	_ =	shalt  }
0x65: {  	_ =	shalt  }
0x66: {  	_ =	shalt  }
0x67: {  	_ =	shalt  }
0x68: {  	_ =	shalt  }
0x69: {  	_ =	shalt  }
0x6a: {  	_ =	shalt  }
0x6b: {  	_ =	shalt  }
0x6c: {  	_ =	shalt  }
0x6d: {  	_ =	shalt  }
0x6e: {  	_ =	shalt  }
0x6f: {  	_ =	shalt  }
0x70: {  	_ =	shalt  }
0x71: {  	_ =	shalt  }
0x72: {  	_ =	shalt  }
0x73: {  	_ =	shalt  }
0x74: {  	_ =	shalt  }
0x75: {  	_ =	shalt  }
0x76: {  	_ =	shalt  }
0x77: {  	_ =	shalt  }
0x78: {  	_ =	shalt  }
0x79: {  	_ =	shalt  }
0x7a: {  	_ =	shalt  }
0x7b: {  	_ =	shalt  }
0x7c: {  	_ =	shalt  }
0x7d: {  	_ =	shalt  }
0x7e: {  	_ =	shalt  }
0x7f: {  	_ =	shalt  }
0x80: {  	_ =	shalt  }
0x81: {  	_ =	shalt  }
0x82: {  	_ =	shalt  }
0x83: {  	_ =	shalt  }
0x84: {  	_ =	shalt  }
0x85: {  	_ =	shalt  }
0x86: {  	_ =	shalt  }
0x87: {  	_ =	shalt  }
.Lfunc_end0:
.L_simem_size_0:
called_computation_lowered:
.L_overlay_start_0:
0x88: {  	s2 =	sld [smem:$0x3FD9]  }
0x89: {  	s3 =	sld [smem:$0x3FFE];
	_ =	sdelay $0x1  }
0x8a: {  	s1 =	srdreg.scid  }
0x8b: {  	s0 =	sand.u32 $0x1, s1  }
0x8c: {  	s17 =	sshll.u32 s0, $0xA;
	s2 =	sadd.s32 s3, s2  }
0x8d: {  	s2 =	sadd.s32 s2, s17  }
0x8e: {  	[smem:$0x3FC2] =	sst s2  }
0x8f: {  	_ = 	snop  }
0x90: {  	s2 =	sld [smem:$0x3FC9];
	(tm) =	ssettm $0x1  }
0x91: {  	s18 =	sld [smem:$0x3FFB];
	_ =	sdelay $0x3  }
0x92: {  	_ =	strace s18  }
0x93: {  	s3 =	sld [smem:$0x3FFC];
	_ =	sdelay $0x3  }
0x94: {  	_ =	strace s3  }
0x95: {  	s3 =	sld [smem:$0x3FFD];
	_ =	sdelay $0x3  }
0x96: {  	_ =	strace s3  }
0x97: {  	_ =	strace $0x8FFFFFFF  }
0x98: {  	s19 =	sld [smem:$0x3FDB];
	_ =	sdelay $0x1  }
0x99: {  	s4 =	simm.s32 $_scs_section_size  }
0x9a: {  	s5 =	simm.s32 $_size__tile_overlayer_lowered;
	s6 =	simm.s32 $_tile_overlayer_lowered  }
0x9b: {  	s22 =	simm.s32 $0x1BFF;
	s21 =	sshll.u32 s6, $0x1;
	s3 =	sadd.s32 s4, s19  }
0x9c: {  	s7 =	simm.s32 $0x0;
	s20 =	sshll.u32 s5, $0x1;
	s5 =	sadd.s32 s21, s3  }
0x9d: {  	[timem:s7], [sflag:s22] =	dma.local [hbm:s5], s20  }
0x9e: {  	_ =	swait.ge [sflag:s22], s20  }
0x9f: {  	s4 =	ssub.s32 $0x0, s20;
	[sflag:s22] =	ssyncset.done $0x0  }
0xa0: {  	[sflag:s22] =	ssyncadd.s32 s4;
	_ =	sdelay $0x1  }
0xa1: {  	s23 =	simm.s32 $0x1B8B  }
0xa2: {  	_ =	swait.ge [sflag:s23], $0x1  }
0xa3: {  	[sflag:s23] =	ssyncset.done $0x0  }
0xa4: {  	s25 =	simm.s32 $0x1B8E;
	s24 =	sld [smem:$0x3FFE];
	[sflag:s23] =	ssyncadd.s32 $0xFFFFFFFF  }
0xa5: {  	s26 =	simm.s32 $execute0_lowered;
	[smem:$0x3FD2] =	sst s25  }
0xa6: {  	s5 =	sshll.u32 s26, $0x1;
	_ =	strace $0x80000046;
	[dreg:$0x1] =	wrdreg $0xFFFFFFFF  }
0xa7: {  	s28 =	simm.s32 $_size_execute0_lowered;
	s3 =	sadd.s32 s3, s5;
	[dreg:$0x0] =	wrdreg $0x0  }
0xa8: {  	s5 =	sshll.u32 s28, $0x1;
	[dreg:$0x2] =	wrdreg s3  }
0xa9: {  	[dreg:$0x3] =	wrdreg s5  }
0xaa: {  	[dreg:$0x4] =	wrdreg $0xC0  }
0xab: {  	_ =	task [dreg:s7], $0x5FFFF  }
0xac: {  	[dreg:$0x1] =	wrdreg $0xFFFFFFFF  }
0xad: {  	[dreg:$0x0] =	wrdreg $0x60  }
0xae: {  	[dreg:$0x2] =	wrdreg s2  }
0xaf: {  	[dreg:$0x3] =	wrdreg s24  }
0xb0: {  	[dreg:$0x4] =	wrdreg $0x8F000  }
0xb1: {  	[dreg:$0x5] =	wrdreg $0x9  }
0xb2: {  	_ =	task.clear_ibuf [dreg:s7], $0x6FFFF;
	_ =	strace $0x90000046  }
0xb3: {  	s29 =	simm.s32 $0x9;
	_ =	strace $0x80000048  }
0xb4: {  	_ =	swait.ge [sflag:s29], $0x1  }
0xb5: {  	[sflag:s29] =	ssyncadd.s32 $0xFFFFFFFF  }
0xb6: {  	_ =	strace $0x90000048  }
0xb7: {  	_ =	sfence  }
0xb8: {  	s30 =	sld [smem:$0x0];
	_ =	sdelay $0x2  }
0xb9: {  	s31 =	sshll.u32 s1, $0xD;
	s1 =	sshrl.u32 s1, $0x2  }
0xba: {  	s3 =	sand.u32 $0x4000, s31;
	s1 =	sadd.s32 s1, s30  }
0xbb: {  	s0 =	sor.u32 s3, s0;
	s1 =	sshll.u32 s1, $0x11  }
0xbc: {  	s0 =	sor.u32 s1, s0  }
0xbd: {  	s0 =	sadd.s32 $0x8F2B, s0  }
0xbe: {  	[sflag:s0] =	ssyncadd.remote.s32 $0x1  }
0xbf: {  	_ =	sfence.sel $0xFFFF  }
0xc0: {  	[dreg:$0x0] =	wrdreg $0xFFFFFFFF;
	(pc) =	sbr.abs _section_cstart, $3  }
0xc1: {  	[dreg:$0x1] =	wrdreg $0xFFFFFFFF  }
0xc2: {  	_ =	task.clear_ibuf [dreg:s7], $0x2FFFF;
	_ =	strace $0x9FFFFFFF  }
0xc3: {  	(tm) =	ssettm $0x7FFFFFFF  }
tec
execute0_lowered:
.L_overlay_start_1:
0x0: {  	(tag) =	ssettag $0x1  }
0x1: {  	s2 =	srdreg.scid;
	s1 =	rddreg [dreg:$0x0]  }
0x2: {  	s0 =	stileid.u32;
	s6 =	rddreg [dreg:$0x1]  }
0x3: {  	s3 =	rddreg [dreg:$0x2];
	s4 =	simm.s32 $0x0;
	s14 =	simm.s32 $0x4F00  }
0x4: {  	s15 =	simm.s32 $0x2;
	s16 =	simm.s32 $0x2780;
	s17 =	simm.s32 $0x80  }
0x5: {  	s18 =	simm.s32 $0x1;
	s19 =	simm.s32 $0x0;
	s8 =	smul.u32 $0x14000, s0  }
0x6: {  	s5 =	sand.u32 $0x1, s2;
	s28 =	sshll.u32 s0, $0x1;
	s10 =	smul.u32 $0x50000, s0  }
0x7: {  	[smem:$0x7FF] =	sst s4;
	s2 =	sor.u32 s5, s28;
	s9 =	smul.u32 $0x140000, s5  }
0x8: {  	s5 =	ssub.s32 $0x2, s5;
	s7 =	smul.u32 $0x4F0, s2;
	s2 =	rddreg [dreg:$0x3]  }
0x9: {  	_ =	strace $0x80000047;
	s30 =	sshrl.u32 s5, $0x1;
	s10 =	sshrl.u32 s10, $0x2  }
0xa: {  	s29 =	sadd.s32 s8, s9;
	s13 =	ssub.s32 s5, s30;
	s31 =	sadd.s32 s10, s3  }
0xb: {  	s5 =	sadd.s32 s8, s3;
	s11 =	sadd.s32 s7, s6;
	s7 =	sshrl.u32 s29, $0x3  }
0xc: {  	s8 =	sadd.s32 $0xC000, s31;
	s9 =	sadd.s32 $0x10000, s31;
	s13 =	smax.u32 s13, $0x1  }
0xd: {  	s12 =	sadd.s32 s7, s6;
	s6 =	sadd.s32 $0x4000, s31;
	s7 =	sadd.s32 $0x8000, s31  }
0xe: {  	v0 =	vimm.f32 $0.0e+00;
	s10 =	sadd.s32 $0xA800, s11;
	s11 =	sadd.s32 $0xA00, s11;
	s12 =	sadd.s32 $0x14600, s12  }
.LBB2_1:
0xf: {  	s20 =	sand.u32 $0xFE00, s4  }
0x10: {  	s21 =	sand.u32 $0x70, s4;
	s22 =	sshrl.u32 s20, $0x2  }
0x11: {  	s20 =	simm.s32 $0x40;
	s22 =	sor.u32 s21, s22;
	s21 =	simm.s32 $0x0  }
.LBB2_2:
0x12: {  	p0 =	sne.s32 s20, $0xFFC0  }
0x13: {  	[tilespmem:s22+$0x4F00] =	vst v0;
	s21 =	sadd.s32 $0x10, s21;
	s22 =	smov.u32 s20;
	s20 =	sadd.s32 $0x40, s20  }
.Ltmp0:
0x14: {  	(pc) =	sbr.rel @p0 .LBB2_2-.Ltmp0, $4  }
0x15: {  	_ = 	snop  }
0x16: {  	s22 =	sand.u32 $0xFE00, s22  }
0x17: {  	s23 =	sand.u32 $0x70, s21;
	s22 =	sshrl.u32 s22, $0x2  }
0x18: {  	s22 =	sor.u32 s23, s22  }
0x19: {  	[tilespmem:s22+$0x4F00] =	vst v0  }
0x1a: {  	[spmem:s5] =	stream.linear.scatter [tilespmem:s14], [sflag:$0x2], $0x4000, $0x38;
	[tilespmem:$0x1CF00] =	vst v63  }
0x1b: {  	_ =	swait.ge [sflag:s15], $0x4000  }
0x1c: {  	[sflag:s15] =	ssyncset.done $0x0  }
0x1d: {  	[sflag:s15] =	ssyncadd.s32 $0xFFFFC000  }
0x1e: {  	[spmem:s6] =	stream.linear.scatter [tilespmem:s14], [sflag:$0x2], $0x4000, $0x38;
	[tilespmem:$0x1CF00] =	vst v63  }
0x1f: {  	_ =	swait.ge [sflag:s15], $0x4000  }
0x20: {  	[sflag:s15] =	ssyncset.done $0x0  }
0x21: {  	[sflag:s15] =	ssyncadd.s32 $0xFFFFC000  }
0x22: {  	[spmem:s7] =	stream.linear.scatter [tilespmem:s14], [sflag:$0x2], $0x4000, $0x38;
	[tilespmem:$0x1CF00] =	vst v63  }
0x23: {  	_ =	swait.ge [sflag:s15], $0x4000  }
0x24: {  	[sflag:s15] =	ssyncset.done $0x0  }
0x25: {  	[sflag:s15] =	ssyncadd.s32 $0xFFFFC000  }
0x26: {  	[spmem:s8] =	stream.linear.scatter [tilespmem:s14], [sflag:$0x2], $0x4000, $0x38;
	[tilespmem:$0x1CF00] =	vst v63  }
0x27: {  	_ =	swait.ge [sflag:s15], $0x4000  }
0x28: {  	[sflag:s15] =	ssyncset.done $0x0  }
0x29: {  	[sflag:s15] =	ssyncadd.s32 $0xFFFFC000  }
0x2a: {  	[spmem:s9] =	stream.linear.scatter [tilespmem:s14], [sflag:$0x2], $0x4000, $0x38;
	[tilespmem:$0x1CF00] =	vst v63  }
0x2b: {  	_ =	swait.ge [sflag:s15], $0x4000  }
0x2c: {  	[sflag:s15] =	ssyncset.done $0x0  }
0x2d: {  	[sflag:s15] =	ssyncadd.s32 $0xFFFFC000  }
0x2e: {  	s20 =	simm.s32 $0x0;
	[bflag:$0x0] =	sbarrier.arrive $0xFFFF  }
0x2f: {  	[tilespmem:s20], [sflag:$0x2] =	stream.linear.gather [hbm4b:s10+s20], $0x2780, $0x38;
	[tilespmem:$0x1CF00] =	vst v63  }
0x30: {  	_ =	swait.ge [sflag:s15], $0x2780  }
0x31: {  	[sflag:s15] =	ssyncset.done $0x0  }
0x32: {  	[sflag:s15] =	ssyncadd.s32 $0xFFFFD880  }
0x33: {  	[tilespmem:s16], [sflag:$0x2] =	stream.linear.gather [hbm4b:s11+s20], $0x2780, $0x38;
	[tilespmem:$0x1CF00] =	vst v63  }
0x34: {  	_ =	swait.ge [sflag:s15], $0x2780  }
0x35: {  	[sflag:s15] =	ssyncset.done $0x0  }
0x36: {  	s30 =	simm.s32 $0x0;
	[sflag:s15] =	ssyncadd.s32 $0xFFFFD880  }
0x37: {  	[tilespmem:s14], [sflag:$0x1] =	stream.indirect.gather [hbm4b:s1+s17], $0x80, s30, s17, $0xb8;
	[tilespmem:$0x1CF00] =	vst v63  }
0x38: {  	_ =	swait.ge [sflag:s18], $0x4000  }
0x39: {  	[sflag:s18] =	ssyncset.done $0x0  }
0x3a: {  	s31 =	simm.s32 $0x2780;
	[sflag:s18] =	ssyncadd.s32 $0xFFFFC000  }
0x3b: {  	[spmem:s3] =	stream.indirect.scatter.add.f32 [tilespmem:s14], [sflag:$0x2], $0x80, s31, s17, $0xb8;
	[tilespmem:$0x1CF00] =	vst v63  }
0x3c: {  	_ =	swait.ge [sflag:s15], $0x4000  }
0x3d: {  	s21 =	simm.s32 $0x400;
	s20 =	simm.s32 $0x200;
	[sflag:s15] =	ssyncset.done $0x0  }
.LBB2_4:
0x3e: {  	s22 =	sshra.s32 s20, $0x2  }
0x3f: {  	[sflag:s15] =	ssyncadd.s32 $0xFFFFC000;
	s20 =	smov.u32 s21;
	s23 =	sadd.s32 $0x200, s21  }
0x40: {  	[tilespmem:s14], [sflag:$0x1] =	stream.indirect.gather [hbm4b:s1+s17], $0x80, s22, s17, $0xb8;
	[tilespmem:$0x1CF00] =	vst v63  }
0x41: {  	p0 =	sne.s32 s21, $0x9C00;
	_ =	swait.ge [sflag:s18], $0x4000  }
.Ltmp1:
0x42: {  	[sflag:s18] =	ssyncset.done $0x0;
	(pc) =	sbr.rel @p0 .LBB2_4-.Ltmp1, $4  }
0x43: {  	s21 =	sadd.s32 $0x2780, s22;
	[sflag:s18] =	ssyncadd.s32 $0xFFFFC000  }
0x44: {  	[spmem:s3] =	stream.indirect.scatter.add.f32 [tilespmem:s14], [sflag:$0x2], $0x80, s21, s17, $0xb8;
	[tilespmem:$0x1CF00] =	vst v63  }
0x45: {  	_ =	swait.ge [sflag:s15], $0x4000  }
0x46: {  	s21 =	smov.u32 s23;
	[sflag:s15] =	ssyncset.done $0x0  }
0x47: {  	s20 =	sshra.s32 s20, $0x2;
	[sflag:s15] =	ssyncadd.s32 $0xFFFFC000  }
0x48: {  	[tilespmem:s14], [sflag:$0x1] =	stream.indirect.gather [hbm4b:s1+s17], $0x80, s20, s17, $0xb8;
	[tilespmem:$0x1CF00] =	vst v63  }
0x49: {  	_ =	swait.ge [sflag:s18], $0x4000  }
0x4a: {  	[sflag:s18] =	ssyncset.done $0x0  }
0x4b: {  	s20 =	sadd.s32 $0x2780, s20;
	[sflag:s18] =	ssyncadd.s32 $0xFFFFC000  }
0x4c: {  	[spmem:s3] =	stream.indirect.scatter.add.f32 [tilespmem:s14], [sflag:$0x2], $0x80, s20, s17, $0xb8;
	[tilespmem:$0x1CF00] =	vst v63  }
0x4d: {  	_ =	swait.ge [sflag:s15], $0x4000  }
0x4e: {  	s31 =	sshll.u32 s0, $0x6;
	s19 =	sadd.s32 $0x1, s19;
	[sflag:s15] =	ssyncset.done $0x0  }
0x4f: {  	s21 =	sshrl.u32 s5, $0x3;
	p0 =	sne.s32 s19, s13;
	[sflag:s15] =	ssyncadd.s32 $0xFFFFC000  }
.Ltmp2:
0x50: {  	s20 =	sor.u32 $0x1C02, s31;
	[bflag:$0x0] =	sbarrier.arrive $0xFFFF;
	(pc) =	sbr.rel @p0 .LBB2_1-.Ltmp2, $4  }
0x51: {  	[hbm:s12], [sflag:s20] =	dma.local [spmem:s21], $0x2800  }
0x52: {  	_ =	swait.ge [sflag:s15], $0x2800  }
0x53: {  	[sflag:s15] =	ssyncset.done $0x0  }
0x54: {  	[sflag:s15] =	ssyncadd.s32 $0xFFFFD800  }
0x55: {  	_ =	sfence.sel $0x180000  }
0x56: {  	[bflag:$0x0] =	sbarrier.arrive $0xFFFF  }
0x57: {  	p0 =	sne.s32 s0, $0x0;
	_ =	strace $0x90000047  }
0x58: {  	s0 =	sadd.s32 @!p0 $0x100000, s2;
	[bflag:$0x2] =	sbarrier.arrive $0xFFFF  }
0x59: {  	[sflag:s0] =	ssyncadd.tile.s32 @!p0 $0x1;
	_ =	shalt  }
.Lfunc_end2:
_tile_overlayer_lowered:
.L_overlay_start_2:
0x5a: {  	(tag) =	ssettag $0x2  }
0x5b: {  	s0 =	rddreg [dreg:$0x0];
	s2 =	stileid.u32  }
0x5c: {  	s1 =	rddreg [dreg:$0x1];
	p0 =	sne.s32 s2, $0x0  }
0x5d: {  	s3 =	rddreg [dreg:$0x2];
	[bflag:$0x3] =	sbarrier.arrive $0xFFFF;
	s2 =	simm.s32 @!p0 $0x1C02  }
0x5e: {  	[timem:s3], [sflag:s2] =	dma.local @!p0 [hbm:s0], s1  }
0x5f: {  	s0 =	simm.s32 @!p0 $0x2  }
0x60: {  	_ =	swait.ge @!p0 [sflag:s0], s1  }
0x61: {  	s1 =	ssub.s32 @!p0 $0x0, s1;
	[sflag:s0] =	ssyncset.done @!p0 $0x0  }
0x62: {  	[sflag:s0] =	ssyncadd.s32 @!p0 s1  }
0x63: {  	[bflag:$0x3] =	sbarrier.arrive $0xFFFF  }
0x64: {  	_ =	shalt  }

// kernel: kernel.9.cloned.1.call-start
scs
__scs_entry_jumppad:
0x0: {  	(pc) =	sbr.rel $0x88, $3  }
0x1: {  	(tag) =	ssettag $0x0;
	lr =	simm.s32 $0x1  }
0x2: {  	[smem:$0x3F9B] =	sst lr;
	_ =	strace $0xD0000000  }
0x3: {  	_ = 	snop  }
0x4: {  	_ = 	snop  }
0x5: {  	_ = 	snop  }
0x6: {  	_ = 	snop  }
0x7: {  	_ = 	snop  }
__scs_overlays_trampoline_lowered:
0x8: {  	[smem:$0x3FAA] =	sst s0  }
0x9: {  	[smem:$0x3FAB] =	sst s1  }
0xa: {  	[smem:$0x3FAC] =	sst s2  }
0xb: {  	[smem:$0x3FAD] =	sst s3  }
0xc: {  	[smem:$0x3FAE] =	sst s4  }
0xd: {  	[smem:$0x3FAF] =	sst s5  }
0xe: {  	[smem:$0x3FB0] =	sst s6  }
0xf: {  	[smem:$0x3FB1] =	sst s7  }
0x10: {  	[smem:$0x3FB2] =	sst s8  }
0x11: {  	[smem:$0x3FB3] =	sst s9;
	s0 =	simm.s32 @!p0 $0x0  }
0x12: {  	s1 =	sld [smem:$0x3F99];
	s0 =	simm.s32 @p0 $0x1  }
0x13: {  	[smem:$0x3FB4] =	sst s0;
	s0 =	simm.s32 @!p1 $0x0  }
0x14: {  	s2 =	sld [smem:$0x3F98];
	s0 =	simm.s32 @p1 $0x1  }
0x15: {  	[smem:$0x3FB5] =	sst s0;
	s0 =	simm.s32 @!p2 $0x0  }
0x16: {  	s3 =	sld [smem:$0x3FDB];
	s0 =	simm.s32 @p2 $0x1  }
0x17: {  	s4 =	simm.s32 $0x1BF5;
	[smem:$0x3FB7] =	sst s0  }
0x18: {  	s0 =	sld [smem:$0x3F9A];
	_ =	swait.ge [sflag:s4], $0x0  }
0x19: {  	s7 =	sld [smem:$0x3F9B]  }
0x1a: {  	s8 =	sadd.s32 $0xFFFFE003, lr  }
0x1b: {  	s9 =	sadd.s32 $0xFFFFFEF7, lr;
	s5 =	simm.s32 $0xFFFFFFFF;
	p2 =	slt.u32 s8, $0xFFFFF086  }
0x1c: {  	p1 =	slt.u32 s9, $0xF7A;
	s5 =	simm.s32 @!p2 $0x0  }
0x1d: {  	s5 =	simm.s32 @p1 $0x1;
	p0 =	seq.s32 s7, s2  }
0x1e: {  	s7 =	smul.u32 @!p0 $0xF7A, s2;
	p2 =	seq.s32 @!p0 s5, $0x0  }
0x1f: {  	s9 =	smul.u32 $0xF7A, s1;
	s8 =	simm.s32 @!p0 $0x1BF5;
	p2 =	por !p2, p0  }
0x20: {  	[sflag:s8] =	ssyncset.s32 @!p0 $0xFFFFF086;
	s6 =	sadd.s32 @!p0 s3, s7;
	s7 =	simm.s32 @!p0 $0x108  }
0x21: {  	s3 =	sadd.s32 s3, s9;
	s6 =	sadd.s32 @!p0 $0x88, s6;
	s7 =	simm.s32 @p2 $0x1082  }
0x22: {  	[simem:s7], [sflag:s8] =	dma.local @!p0 [hbm:s6], $0xF7A  }
0x23: {  	s9 =	sor.u32 $0xD0000000, s2;
	s6 =	simm.s32 $0x108;
	_ =	swait.ge @!p0 [sflag:s8], $0x0  }
0x24: {  	s3 =	sadd.s32 $0x88, s3;
	s6 =	simm.s32 @!p1 $0x1082;
	[sflag:s4] =	ssyncset.s32 $0xFFFFF086  }
0x25: {  	[simem:s6], [sflag:s4] =	dma.local [hbm:s3], $0xF7A  }
0x26: {  	[smem:$0x3F9B] =	sst s1;
	(tag) =	ssettag s2;
	_ =	strace s9  }
0x27: {  	s1 =	sld [smem:$0x3FAB]  }
0x28: {  	s2 =	sld [smem:$0x3FAC]  }
0x29: {  	s4 =	sld [smem:$0x3FAE]  }
0x2a: {  	p0 =	seq.s32 s5, $0x0;
	s5 =	sld [smem:$0x3FAF]  }
0x2b: {  	s6 =	sld [smem:$0x3FB0]  }
0x2c: {  	s7 =	sld [smem:$0x3FB1]  }
0x2d: {  	s3 =	simm.s32 $0x108;
	s8 =	sld [smem:$0x3FB2]  }
0x2e: {  	s3 =	simm.s32 @!p0 $0x1082;
	s9 =	sld [smem:$0x3FB3]  }
0x2f: {  	lr =	sadd.s32 s0, s3;
	s0 =	sld [smem:$0x3FAA]  }
0x30: {  	s3 =	sld [smem:$0x3FAD]  }
0x31: {  	[smem:$0x3FB6] =	sst s10  }
0x32: {  	s10 =	sld [smem:$0x3FB4];
	_ =	sdelay $0x3  }
0x33: {  	p0 =	seq.s32 s10, $0x1;
	s10 =	sld [smem:$0x3FB6];
	_ =	sdelay $0x3  }
0x34: {  	[smem:$0x3FB6] =	sst s10  }
0x35: {  	s10 =	sld [smem:$0x3FB5];
	_ =	sdelay $0x3  }
0x36: {  	p1 =	seq.s32 s10, $0x1;
	s10 =	sld [smem:$0x3FB6];
	_ =	sdelay $0x3  }
0x37: {  	[smem:$0x3FB6] =	sst s10  }
0x38: {  	s10 =	sld [smem:$0x3FB7]  }
0x39: {  	_ = 	snop;
	(pc) =	sbr.ind lr, $3  }
0x3a: {  	_ = 	snop  }
0x3b: {  	_ = 	snop  }
0x3c: {  	p2 =	seq.s32 s10, $0x1;
	s10 =	sld [smem:$0x3FB6]  }
0x3d: {  	_ =	shalt  }
0x3e: {  	_ =	shalt  }
0x3f: {  	_ =	shalt  }
0x40: {  	_ =	shalt  }
0x41: {  	_ =	shalt  }
0x42: {  	_ =	shalt  }
0x43: {  	_ =	shalt  }
0x44: {  	_ =	shalt  }
0x45: {  	_ =	shalt  }
0x46: {  	_ =	shalt  }
0x47: {  	_ =	shalt  }
0x48: {  	_ =	shalt  }
0x49: {  	_ =	shalt  }
0x4a: {  	_ =	shalt  }
0x4b: {  	_ =	shalt  }
0x4c: {  	_ =	shalt  }
0x4d: {  	_ =	shalt  }
0x4e: {  	_ =	shalt  }
0x4f: {  	_ =	shalt  }
0x50: {  	_ =	shalt  }
0x51: {  	_ =	shalt  }
0x52: {  	_ =	shalt  }
0x53: {  	_ =	shalt  }
0x54: {  	_ =	shalt  }
0x55: {  	_ =	shalt  }
0x56: {  	_ =	shalt  }
0x57: {  	_ =	shalt  }
0x58: {  	_ =	shalt  }
0x59: {  	_ =	shalt  }
0x5a: {  	_ =	shalt  }
0x5b: {  	_ =	shalt  }
0x5c: {  	_ =	shalt  }
0x5d: {  	_ =	shalt  }
0x5e: {  	_ =	shalt  }
0x5f: {  	_ =	shalt  }
0x60: {  	_ =	shalt  }
0x61: {  	_ =	shalt  }
0x62: {  	_ =	shalt  }
0x63: {  	_ =	shalt  }
0x64: {  	_ =	shalt  }
0x65: {  	_ =	shalt  }
0x66: {  	_ =	shalt  }
0x67: {  	_ =	shalt  }
0x68: {  	_ =	shalt  }
0x69: {  	_ =	shalt  }
0x6a: {  	_ =	shalt  }
0x6b: {  	_ =	shalt  }
0x6c: {  	_ =	shalt  }
0x6d: {  	_ =	shalt  }
0x6e: {  	_ =	shalt  }
0x6f: {  	_ =	shalt  }
0x70: {  	_ =	shalt  }
0x71: {  	_ =	shalt  }
0x72: {  	_ =	shalt  }
0x73: {  	_ =	shalt  }
0x74: {  	_ =	shalt  }
0x75: {  	_ =	shalt  }
0x76: {  	_ =	shalt  }
0x77: {  	_ =	shalt  }
0x78: {  	_ =	shalt  }
0x79: {  	_ =	shalt  }
0x7a: {  	_ =	shalt  }
0x7b: {  	_ =	shalt  }
0x7c: {  	_ =	shalt  }
0x7d: {  	_ =	shalt  }
0x7e: {  	_ =	shalt  }
0x7f: {  	_ =	shalt  }
0x80: {  	_ =	shalt  }
0x81: {  	_ =	shalt  }
0x82: {  	_ =	shalt  }
0x83: {  	_ =	shalt  }
0x84: {  	_ =	shalt  }
0x85: {  	_ =	shalt  }
0x86: {  	_ =	shalt  }
0x87: {  	_ =	shalt  }
.Lfunc_end0:
.L_simem_size_0:
called_computation.1_lowered:
.L_overlay_start_0:
0x88: {  	s2 =	sld [smem:$0x3FD9]  }
0x89: {  	s3 =	sld [smem:$0x3FFE];
	_ =	sdelay $0x1  }
0x8a: {  	s1 =	srdreg.scid  }
0x8b: {  	s0 =	sand.u32 $0x1, s1  }
0x8c: {  	s17 =	sshll.u32 s0, $0xA;
	s2 =	sadd.s32 s3, s2  }
0x8d: {  	s2 =	sadd.s32 s2, s17  }
0x8e: {  	[smem:$0x3FC2] =	sst s2  }
0x8f: {  	_ = 	snop  }
0x90: {  	s2 =	sld [smem:$0x3FD0];
	(tm) =	ssettm $0x1  }
0x91: {  	s18 =	sld [smem:$0x3FFB];
	_ =	sdelay $0x3  }
0x92: {  	_ =	strace s18  }
0x93: {  	s3 =	sld [smem:$0x3FFC];
	_ =	sdelay $0x3  }
0x94: {  	_ =	strace s3  }
0x95: {  	s3 =	sld [smem:$0x3FFD];
	_ =	sdelay $0x3  }
0x96: {  	_ =	strace s3  }
0x97: {  	_ =	strace $0x8FFFFFFF  }
0x98: {  	s19 =	sld [smem:$0x3FDB];
	_ =	sdelay $0x1  }
0x99: {  	s4 =	simm.s32 $_scs_section_size  }
0x9a: {  	s5 =	simm.s32 $_size__tile_overlayer_lowered;
	s6 =	simm.s32 $_tile_overlayer_lowered  }
0x9b: {  	s22 =	simm.s32 $0x1BFF;
	s21 =	sshll.u32 s6, $0x1;
	s3 =	sadd.s32 s4, s19  }
0x9c: {  	s7 =	simm.s32 $0x0;
	s20 =	sshll.u32 s5, $0x1;
	s5 =	sadd.s32 s21, s3  }
0x9d: {  	[timem:s7], [sflag:s22] =	dma.local [hbm:s5], s20  }
0x9e: {  	_ =	swait.ge [sflag:s22], s20  }
0x9f: {  	s4 =	ssub.s32 $0x0, s20;
	[sflag:s22] =	ssyncset.done $0x0  }
0xa0: {  	[sflag:s22] =	ssyncadd.s32 s4;
	_ =	sdelay $0x1  }
0xa1: {  	s23 =	simm.s32 $0x1B8B  }
0xa2: {  	_ =	swait.ge [sflag:s23], $0x1  }
0xa3: {  	[sflag:s23] =	ssyncset.done $0x0  }
0xa4: {  	s25 =	simm.s32 $0x1B8E;
	s24 =	sld [smem:$0x3FFE];
	[sflag:s23] =	ssyncadd.s32 $0xFFFFFFFF  }
0xa5: {  	s26 =	simm.s32 $execute0_lowered;
	[smem:$0x3FD2] =	sst s25  }
0xa6: {  	s5 =	sshll.u32 s26, $0x1;
	_ =	strace $0x80000049;
	[dreg:$0x1] =	wrdreg $0xFFFFFFFF  }
0xa7: {  	s28 =	simm.s32 $_size_execute0_lowered;
	s3 =	sadd.s32 s3, s5;
	[dreg:$0x0] =	wrdreg $0x0  }
0xa8: {  	s5 =	sshll.u32 s28, $0x1;
	[dreg:$0x2] =	wrdreg s3  }
0xa9: {  	[dreg:$0x3] =	wrdreg s5  }
0xaa: {  	[dreg:$0x4] =	wrdreg $0xC0  }
0xab: {  	_ =	task [dreg:s7], $0x5FFFF  }
0xac: {  	[dreg:$0x1] =	wrdreg $0xFFFFFFFF  }
0xad: {  	[dreg:$0x0] =	wrdreg $0x60  }
0xae: {  	[dreg:$0x2] =	wrdreg s2  }
0xaf: {  	[dreg:$0x3] =	wrdreg s24  }
0xb0: {  	[dreg:$0x4] =	wrdreg $0x6F000  }
0xb1: {  	[dreg:$0x5] =	wrdreg $0x9  }
0xb2: {  	_ =	task.clear_ibuf [dreg:s7], $0x6FFFF;
	_ =	strace $0x90000049  }
0xb3: {  	s29 =	simm.s32 $0x9;
	_ =	strace $0x8000004B  }
0xb4: {  	_ =	swait.ge [sflag:s29], $0x1  }
0xb5: {  	[sflag:s29] =	ssyncadd.s32 $0xFFFFFFFF  }
0xb6: {  	_ =	strace $0x9000004B  }
0xb7: {  	_ =	sfence  }
0xb8: {  	s30 =	sld [smem:$0x0];
	_ =	sdelay $0x2  }
0xb9: {  	s31 =	sshll.u32 s1, $0xD;
	s1 =	sshrl.u32 s1, $0x2  }
0xba: {  	s3 =	sand.u32 $0x4000, s31;
	s1 =	sadd.s32 s1, s30  }
0xbb: {  	s0 =	sor.u32 s3, s0;
	s1 =	sshll.u32 s1, $0x11  }
0xbc: {  	s0 =	sor.u32 s1, s0  }
0xbd: {  	s0 =	sadd.s32 $0x8F2B, s0  }
0xbe: {  	[sflag:s0] =	ssyncadd.remote.s32 $0x1  }
0xbf: {  	_ =	sfence.sel $0xFFFF  }
0xc0: {  	[dreg:$0x0] =	wrdreg $0xFFFFFFFF;
	(pc) =	sbr.abs _section_cstart, $3  }
0xc1: {  	[dreg:$0x1] =	wrdreg $0xFFFFFFFF  }
0xc2: {  	_ =	task.clear_ibuf [dreg:s7], $0x2FFFF;
	_ =	strace $0x9FFFFFFF  }
0xc3: {  	(tm) =	ssettm $0x7FFFFFFF  }
tec
execute0_lowered:
.L_overlay_start_1:
0x0: {  	(tag) =	ssettag $0x1  }
0x1: {  	s2 =	srdreg.scid;
	s1 =	rddreg [dreg:$0x0]  }
0x2: {  	s0 =	stileid.u32;
	s6 =	rddreg [dreg:$0x1]  }
0x3: {  	s3 =	rddreg [dreg:$0x2];
	s4 =	simm.s32 $0x0;
	s14 =	simm.s32 $0x4F00  }
0x4: {  	s15 =	simm.s32 $0x2;
	s16 =	simm.s32 $0x2780;
	s17 =	simm.s32 $0x80  }
0x5: {  	s18 =	simm.s32 $0x1;
	s19 =	simm.s32 $0x0;
	s8 =	smul.u32 $0xA000, s0  }
0x6: {  	s5 =	sand.u32 $0x1, s2;
	s28 =	sshll.u32 s0, $0x1;
	s10 =	smul.u32 $0x28000, s0  }
0x7: {  	[smem:$0x7FF] =	sst s4;
	s2 =	sor.u32 s5, s28;
	s9 =	smul.u32 $0xA0000, s5  }
0x8: {  	s5 =	ssub.s32 $0x2, s5;
	s7 =	smul.u32 $0x4F0, s2;
	s2 =	rddreg [dreg:$0x3]  }
0x9: {  	_ =	strace $0x8000004A;
	s30 =	sshrl.u32 s5, $0x1;
	s10 =	sshrl.u32 s10, $0x2  }
0xa: {  	s29 =	sadd.s32 s8, s9;
	s13 =	ssub.s32 s5, s30;
	s31 =	sadd.s32 s10, s3  }
0xb: {  	s5 =	sadd.s32 s8, s3;
	s11 =	sadd.s32 s7, s6;
	s7 =	sshrl.u32 s29, $0x3  }
0xc: {  	s8 =	sadd.s32 $0x6000, s31;
	s9 =	sadd.s32 $0x8000, s31;
	s13 =	smax.u32 s13, $0x1  }
0xd: {  	s12 =	sadd.s32 s7, s6;
	s6 =	sadd.s32 $0x2000, s31;
	s7 =	sadd.s32 $0x4000, s31  }
0xe: {  	v0 =	vimm.f32 $0.0e+00;
	s10 =	sadd.s32 $0xA800, s11;
	s11 =	sadd.s32 $0xA00, s11;
	s12 =	sadd.s32 $0x14600, s12  }
.LBB2_1:
0xf: {  	s20 =	sand.u32 $0x7F00, s4  }
0x10: {  	s21 =	sand.u32 $0x30, s4;
	s22 =	sshrl.u32 s20, $0x2  }
0x11: {  	s20 =	simm.s32 $0x40;
	s22 =	sor.u32 s21, s22;
	s21 =	simm.s32 $0x0  }
.LBB2_2:
0x12: {  	p0 =	sne.s32 s20, $0x7FC0  }
0x13: {  	[tilespmem:s22+$0x4F00] =	vst v0;
	s21 =	sadd.s32 $0x10, s21;
	s22 =	smov.u32 s20;
	s20 =	sadd.s32 $0x40, s20  }
.Ltmp0:
0x14: {  	(pc) =	sbr.rel @p0 .LBB2_2-.Ltmp0, $4  }
0x15: {  	_ = 	snop  }
0x16: {  	s22 =	sand.u32 $0x7F00, s22  }
0x17: {  	s23 =	sand.u32 $0x30, s21;
	s22 =	sshrl.u32 s22, $0x2  }
0x18: {  	s22 =	sor.u32 s23, s22  }
0x19: {  	[tilespmem:s22+$0x4F00] =	vst v0  }
0x1a: {  	[spmem:s5] =	stream.linear.scatter [tilespmem:s14], [sflag:$0x2], $0x2000, $0x38;
	[tilespmem:$0x10F00] =	vst v63  }
0x1b: {  	_ =	swait.ge [sflag:s15], $0x2000  }
0x1c: {  	[sflag:s15] =	ssyncset.done $0x0  }
0x1d: {  	[sflag:s15] =	ssyncadd.s32 $0xFFFFE000  }
0x1e: {  	[spmem:s6] =	stream.linear.scatter [tilespmem:s14], [sflag:$0x2], $0x2000, $0x38;
	[tilespmem:$0x10F00] =	vst v63  }
0x1f: {  	_ =	swait.ge [sflag:s15], $0x2000  }
0x20: {  	[sflag:s15] =	ssyncset.done $0x0  }
0x21: {  	[sflag:s15] =	ssyncadd.s32 $0xFFFFE000  }
0x22: {  	[spmem:s7] =	stream.linear.scatter [tilespmem:s14], [sflag:$0x2], $0x2000, $0x38;
	[tilespmem:$0x10F00] =	vst v63  }
0x23: {  	_ =	swait.ge [sflag:s15], $0x2000  }
0x24: {  	[sflag:s15] =	ssyncset.done $0x0  }
0x25: {  	[sflag:s15] =	ssyncadd.s32 $0xFFFFE000  }
0x26: {  	[spmem:s8] =	stream.linear.scatter [tilespmem:s14], [sflag:$0x2], $0x2000, $0x38;
	[tilespmem:$0x10F00] =	vst v63  }
0x27: {  	_ =	swait.ge [sflag:s15], $0x2000  }
0x28: {  	[sflag:s15] =	ssyncset.done $0x0  }
0x29: {  	[sflag:s15] =	ssyncadd.s32 $0xFFFFE000  }
0x2a: {  	[spmem:s9] =	stream.linear.scatter [tilespmem:s14], [sflag:$0x2], $0x2000, $0x38;
	[tilespmem:$0x10F00] =	vst v63  }
0x2b: {  	_ =	swait.ge [sflag:s15], $0x2000  }
0x2c: {  	[sflag:s15] =	ssyncset.done $0x0  }
0x2d: {  	[sflag:s15] =	ssyncadd.s32 $0xFFFFE000  }
0x2e: {  	s20 =	simm.s32 $0x0;
	[bflag:$0x0] =	sbarrier.arrive $0xFFFF  }
0x2f: {  	[tilespmem:s20], [sflag:$0x2] =	stream.linear.gather [hbm4b:s10+s20], $0x2780, $0x38;
	[tilespmem:$0x10F00] =	vst v63  }
0x30: {  	_ =	swait.ge [sflag:s15], $0x2780  }
0x31: {  	[sflag:s15] =	ssyncset.done $0x0  }
0x32: {  	[sflag:s15] =	ssyncadd.s32 $0xFFFFD880  }
0x33: {  	[tilespmem:s16], [sflag:$0x2] =	stream.linear.gather [hbm4b:s11+s20], $0x2780, $0x38;
	[tilespmem:$0x10F00] =	vst v63  }
0x34: {  	_ =	swait.ge [sflag:s15], $0x2780  }
0x35: {  	[sflag:s15] =	ssyncset.done $0x0  }
0x36: {  	s30 =	simm.s32 $0x0;
	[sflag:s15] =	ssyncadd.s32 $0xFFFFD880  }
0x37: {  	[tilespmem:s14], [sflag:$0x1] =	stream.indirect.gather [hbm4b:s1+s17], $0x40, s30, s17, $0xb8;
	[tilespmem:$0x10F00] =	vst v63  }
0x38: {  	_ =	swait.ge [sflag:s18], $0x2000  }
0x39: {  	[sflag:s18] =	ssyncset.done $0x0  }
0x3a: {  	s31 =	simm.s32 $0x2780;
	[sflag:s18] =	ssyncadd.s32 $0xFFFFE000  }
0x3b: {  	[spmem:s3] =	stream.indirect.scatter.add.f32 [tilespmem:s14], [sflag:$0x2], $0x40, s31, s17, $0xb8;
	[tilespmem:$0x10F00] =	vst v63  }
0x3c: {  	_ =	swait.ge [sflag:s15], $0x2000  }
0x3d: {  	s21 =	simm.s32 $0x400;
	s20 =	simm.s32 $0x200;
	[sflag:s15] =	ssyncset.done $0x0  }
.LBB2_4:
0x3e: {  	s22 =	sshra.s32 s20, $0x2  }
0x3f: {  	[sflag:s15] =	ssyncadd.s32 $0xFFFFE000;
	s20 =	smov.u32 s21;
	s23 =	sadd.s32 $0x200, s21  }
0x40: {  	[tilespmem:s14], [sflag:$0x1] =	stream.indirect.gather [hbm4b:s1+s17], $0x40, s22, s17, $0xb8;
	[tilespmem:$0x10F00] =	vst v63  }
0x41: {  	p0 =	sne.s32 s21, $0x9C00;
	_ =	swait.ge [sflag:s18], $0x2000  }
.Ltmp1:
0x42: {  	[sflag:s18] =	ssyncset.done $0x0;
	(pc) =	sbr.rel @p0 .LBB2_4-.Ltmp1, $4  }
0x43: {  	s21 =	sadd.s32 $0x2780, s22;
	[sflag:s18] =	ssyncadd.s32 $0xFFFFE000  }
0x44: {  	[spmem:s3] =	stream.indirect.scatter.add.f32 [tilespmem:s14], [sflag:$0x2], $0x40, s21, s17, $0xb8;
	[tilespmem:$0x10F00] =	vst v63  }
0x45: {  	_ =	swait.ge [sflag:s15], $0x2000  }
0x46: {  	s21 =	smov.u32 s23;
	[sflag:s15] =	ssyncset.done $0x0  }
0x47: {  	s20 =	sshra.s32 s20, $0x2;
	[sflag:s15] =	ssyncadd.s32 $0xFFFFE000  }
0x48: {  	[tilespmem:s14], [sflag:$0x1] =	stream.indirect.gather [hbm4b:s1+s17], $0x40, s20, s17, $0xb8;
	[tilespmem:$0x10F00] =	vst v63  }
0x49: {  	_ =	swait.ge [sflag:s18], $0x2000  }
0x4a: {  	[sflag:s18] =	ssyncset.done $0x0  }
0x4b: {  	s20 =	sadd.s32 $0x2780, s20;
	[sflag:s18] =	ssyncadd.s32 $0xFFFFE000  }
0x4c: {  	[spmem:s3] =	stream.indirect.scatter.add.f32 [tilespmem:s14], [sflag:$0x2], $0x40, s20, s17, $0xb8;
	[tilespmem:$0x10F00] =	vst v63  }
0x4d: {  	_ =	swait.ge [sflag:s15], $0x2000  }
0x4e: {  	s31 =	sshll.u32 s0, $0x6;
	s19 =	sadd.s32 $0x1, s19;
	[sflag:s15] =	ssyncset.done $0x0  }
0x4f: {  	s21 =	sshrl.u32 s5, $0x3;
	p0 =	sne.s32 s19, s13;
	[sflag:s15] =	ssyncadd.s32 $0xFFFFE000  }
.Ltmp2:
0x50: {  	s20 =	sor.u32 $0x1C02, s31;
	[bflag:$0x0] =	sbarrier.arrive $0xFFFF;
	(pc) =	sbr.rel @p0 .LBB2_1-.Ltmp2, $4  }
0x51: {  	[hbm:s12], [sflag:s20] =	dma.local [spmem:s21], $0x1400  }
0x52: {  	_ =	swait.ge [sflag:s15], $0x1400  }
0x53: {  	[sflag:s15] =	ssyncset.done $0x0  }
0x54: {  	[sflag:s15] =	ssyncadd.s32 $0xFFFFEC00  }
0x55: {  	_ =	sfence.sel $0x180000  }
0x56: {  	[bflag:$0x0] =	sbarrier.arrive $0xFFFF  }
0x57: {  	p0 =	sne.s32 s0, $0x0;
	_ =	strace $0x9000004A  }
0x58: {  	s0 =	sadd.s32 @!p0 $0x100000, s2;
	[bflag:$0x2] =	sbarrier.arrive $0xFFFF  }
0x59: {  	[sflag:s0] =	ssyncadd.tile.s32 @!p0 $0x1;
	_ =	shalt  }
.Lfunc_end2:
_tile_overlayer_lowered:
.L_overlay_start_2:
0x5a: {  	(tag) =	ssettag $0x2  }
0x5b: {  	s0 =	rddreg [dreg:$0x0];
	s2 =	stileid.u32  }
0x5c: {  	s1 =	rddreg [dreg:$0x1];
	p0 =	sne.s32 s2, $0x0  }
0x5d: {  	s3 =	rddreg [dreg:$0x2];
	[bflag:$0x3] =	sbarrier.arrive $0xFFFF;
	s2 =	simm.s32 @!p0 $0x1C02  }
0x5e: {  	[timem:s3], [sflag:s2] =	dma.local @!p0 [hbm:s0], s1  }
0x5f: {  	s0 =	simm.s32 @!p0 $0x2  }
0x60: {  	_ =	swait.ge @!p0 [sflag:s0], s1  }
0x61: {  	s1 =	ssub.s32 @!p0 $0x0, s1;
	[sflag:s0] =	ssyncset.done @!p0 $0x0  }
0x62: {  	[sflag:s0] =	ssyncadd.s32 @!p0 s1  }
0x63: {  	[bflag:$0x3] =	sbarrier.arrive $0xFFFF  }
0x64: {  	_ =	shalt  }

</sc_bundles>
